<compile_context>
chip_gen: v7x
topology: tpu7x:2x2x1
jax: 0.10.2.dev20260603
libtpu: 0.0.44.dev20260713+nightly
codegen_flags: <defaults>
</compile_context>

<pallas_src>
import math

import jax
import jax.numpy as jnp
from jax import lax
from jax.experimental import pallas as pl
from jax.experimental.pallas import tpu as pltpu
from jax.experimental.pallas import tpu_sc as plsc

F32 = jnp.float32
BF16 = jnp.bfloat16
U32 = jnp.uint32
I32 = jnp.int32


def _pack_rne(lo, hi):
    ulo = lax.bitcast_convert_type(lo, U32)
    uhi = lax.bitcast_convert_type(hi, U32)
    ulo = ulo + U32(0x7FFF) + ((ulo >> 16) & U32(1))
    uhi = uhi + U32(0x7FFF) + ((uhi >> 16) & U32(1))
    word = (ulo >> 16) | (uhi & U32(0xFFFF0000))
    return lax.bitcast_convert_type(word, I32)


def _unpack_lo(w):
    u = lax.bitcast_convert_type(w, U32)
    return lax.bitcast_convert_type(u << 16, F32)


def _unpack_hi(w):
    u = lax.bitcast_convert_type(w, U32)
    return lax.bitcast_convert_type(u & U32(0xFFFF0000), F32)

_N = 10000
_E = 320000
_DA = 10
_DF = 128
_DEF = 8
_NP = 10240
_NW = 32
_PIECES = 1
_EH = _E // _PIECES
_EPW = _EH // _NW
_CH = 80
_NCH = _EPW // _CH
_RPT = _NP // 16


def _node_tables_body(na_ref, nf_ref, wsf_ref, wdf_ref, wup_ref, wres_ref,
                      wskip_ref, tsu_ref, td_ref, res_ref, sc_ref):
    na = na_ref[...]
    nf = nf_ref[...]
    ab = jnp.dot(na, wsf_ref[...], preferred_element_type=F32)
    up = jnp.dot(nf, wup_ref[...], preferred_element_type=F32)
    tsu_ref[...] = _pack_rne(ab, up)
    tdf = jnp.dot(na, wdf_ref[...], preferred_element_type=F32)
    td_ref[:, 0:64] = _pack_rne(tdf[:, 0:64], tdf[:, 64:128])
    td_ref[:, 64:128] = jnp.zeros((na.shape[0], 64), I32)
    res_ref[...] = jnp.dot(nf, wres_ref[...], preferred_element_type=F32)
    sc_ref[...] = jnp.dot(nf, wskip_ref[...], preferred_element_type=F32)


def _node_tables(na, nf, wsf, wdf, wupn, wresn, wskipn):
    tn = 1000
    grid = (_N // tn,)
    full = lambda shape: pl.BlockSpec(shape, lambda i: (0, 0))
    return pl.pallas_call(
        _node_tables_body,
        grid=grid,
        in_specs=[
            pl.BlockSpec((tn, _DA), lambda i: (i, 0)),
            pl.BlockSpec((tn, _DF), lambda i: (i, 0)),
            full((_DA, _DF)), full((_DA, _DF)),
            full((_DF, _DF)), full((_DF, _DF)), full((_DF, _DF)),
        ],
        out_specs=[
            pl.BlockSpec((tn, _DF), lambda i: (i, 0)),
            pl.BlockSpec((tn, _DF), lambda i: (i, 0)),
            pl.BlockSpec((tn, _DF), lambda i: (i, 0)),
            pl.BlockSpec((tn, _DF), lambda i: (i, 0)),
        ],
        out_shape=[
            jax.ShapeDtypeStruct((_N, _DF), I32),
            jax.ShapeDtypeStruct((_N, _DF), I32),
            jax.ShapeDtypeStruct((_N, _DF), F32),
            jax.ShapeDtypeStruct((_N, _DF), F32),
        ],
        compiler_params=pltpu.CompilerParams(
            dimension_semantics=("parallel",)),
    )(na, nf, wsf, wdf, wupn, wresn, wskipn)


def _sc_gather_body(tsu_hbm, td_hbm, srcr_hbm, dstr_hbm, ga_hbm, gb_hbm,
                    sidx, didx, bufs, bufd, sem, wsem):
    cid = lax.axis_index("c")
    sid = lax.axis_index("s")
    wid = sid * 2 + cid
    base = wid * _EPW
    pltpu.sync_copy(srcr_hbm.at[wid], sidx)
    pltpu.sync_copy(dstr_hbm.at[wid], didx)

    def start_gather(j, p):
        pltpu.async_copy(tsu_hbm.at[sidx.at[j]], bufs.at[p], sem.at[p])
        pltpu.async_copy(td_hbm.at[didx.at[j]], bufd.at[p], sem.at[p])

    def wait_write(j, p):
        b = base + j * _CH
        pltpu.make_async_copy(bufs.at[p], ga_hbm.at[pl.ds(b, _CH)],
                              wsem.at[p]).wait()
        pltpu.make_async_copy(bufd.at[p], gb_hbm.at[pl.ds(b, _CH)],
                              wsem.at[p]).wait()

    start_gather(0, 0)

    def chunk(j, carry):
        p = lax.rem(j, 2)

        @pl.when(j + 1 < _NCH)
        def _():
            @pl.when(j >= 1)
            def _():
                wait_write(j - 1, 1 - p)

            start_gather(j + 1, 1 - p)

        pltpu.make_async_copy(tsu_hbm.at[sidx.at[j]], bufs.at[p],
                              sem.at[p]).wait()
        pltpu.make_async_copy(td_hbm.at[didx.at[j]], bufd.at[p],
                              sem.at[p]).wait()
        b = base + j * _CH
        pltpu.async_copy(bufs.at[p], ga_hbm.at[pl.ds(b, _CH)], wsem.at[p])
        pltpu.async_copy(bufd.at[p], gb_hbm.at[pl.ds(b, _CH)], wsem.at[p])
        return carry

    lax.fori_loop(0, _NCH, chunk, 0)
    wait_write(_NCH - 2, (_NCH - 2) % 2)
    wait_write(_NCH - 1, (_NCH - 1) % 2)


def _gather_phase(tsu, td, src, dst):
    sc_gather = pl.kernel(
        _sc_gather_body,
        out_type=(
            jax.ShapeDtypeStruct((_EH, _DF), I32),
            jax.ShapeDtypeStruct((_EH, _DF), I32),
        ),
        mesh=plsc.VectorSubcoreMesh(core_axis_name="c", subcore_axis_name="s",
                                    num_cores=2, num_subcores=16),
        scratch_types=[
            pltpu.VMEM((_NCH, _CH), jnp.int32),
            pltpu.VMEM((_NCH, _CH), jnp.int32),
            pltpu.VMEM((2, _CH, _DF), I32),
            pltpu.VMEM((2, _CH, _DF), I32),
            pltpu.SemaphoreType.DMA((2,)),
            pltpu.SemaphoreType.DMA((2,)),
        ],
    )
    return sc_gather(tsu, td, src.reshape(_NW, _NCH, _CH),
                     dst.reshape(_NW, _NCH, _CH))


def _edge_mlp_body(ga_ref, gb_ref, ef_ref, ea_ref, w1e_ref, wde_ref, w2_ref,
                   w3_ref, w4_ref, wd2_ref, mji_ref, dens_ref):
    ga32 = ga_ref[...]
    gb32 = gb_ref[...]
    ab = _unpack_lo(ga32)
    upv = _unpack_hi(ga32)
    gbl = gb32[:, 0:64]
    at = _unpack_lo(gbl)
    bt = _unpack_hi(gbl)
    ef = ef_ref[...]
    h1 = ab[:, 0:64] + at + jnp.dot(ef, w1e_ref[...],
                                    preferred_element_type=F32)
    h1 = h1 * jax.nn.sigmoid(h1)
    d1 = ab[:, 64:128] + bt + jnp.dot(ef, wde_ref[...],
                                      preferred_element_type=F32)
    d1 = d1 * jax.nn.sigmoid(d1)
    h2 = jnp.dot(h1, w2_ref[...], preferred_element_type=F32)
    h2 = h2 * jax.nn.sigmoid(h2)
    h3 = jnp.dot(h2, w3_ref[...], preferred_element_type=F32)
    h3 = h3 * jax.nn.sigmoid(h3)
    tpw = jnp.dot(h3, w4_ref[...], preferred_element_type=F32)
    mji_ref[...] = upv * (ea_ref[...] * tpw)
    dd = jnp.dot(d1, wd2_ref[...], preferred_element_type=F32)
    dens_ref[...] = jnp.tanh(dd * dd)


def _edge_mlp(ga, gb, ef, ea, w1e, wde, w2n, w3n, w4n, wd2n):
    te = 4000
    grid = (_EH // te,)
    full = lambda shape: pl.BlockSpec(shape, lambda i: (0, 0))
    return pl.pallas_call(
        _edge_mlp_body,
        grid=grid,
        in_specs=[
            pl.BlockSpec((te, _DF), lambda i: (i, 0)),
            pl.BlockSpec((te, _DF), lambda i: (i, 0)),
            pl.BlockSpec((te, _DEF), lambda i: (i, 0)),
            pl.BlockSpec((te, 1), lambda i: (i, 0)),
            full((_DEF, 64)), full((_DEF, 64)),
            full((64, 64)), full((64, 64)), full((64, _DF)), full((64, 1)),
        ],
        out_specs=[
            pl.BlockSpec((te, _DF), lambda i: (i, 0)),
            pl.BlockSpec((te, 1), lambda i: (i, 0)),
        ],
        out_shape=[
            jax.ShapeDtypeStruct((_EH, _DF), F32),
            jax.ShapeDtypeStruct((_EH, 1), F32),
        ],
        compiler_params=pltpu.CompilerParams(
            dimension_semantics=("parallel",)),
    )(ga, gb, ef, ea, w1e, wde, w2n, w3n, w4n, wd2n)


def _sc_scatter_body(dstr_hbm, mji_hbm, de_hbm, zm_hbm, zd_hbm,
                     msgp_hbm, denp_hbm,
                     didx, bufm, bufe, sem, acc_m, acc_d):
    cid = lax.axis_index("c")
    sid = lax.axis_index("s")
    wid = sid * 2 + cid
    r0 = sid * _RPT
    pltpu.sync_copy(zm_hbm.at[cid, pl.ds(r0, _RPT)],
                    acc_m.at[pl.ds(r0, _RPT)])
    pltpu.sync_copy(zd_hbm.at[cid, pl.ds(r0, _RPT)],
                    acc_d.at[pl.ds(r0, _RPT)])
    pltpu.sync_copy(dstr_hbm.at[wid], didx)
    plsc.subcore_barrier()
    base = wid * _EPW

    def start_load(j, p):
        b = base + j * _CH
        pltpu.async_copy(mji_hbm.at[pl.ds(b, _CH)], bufm.at[p], sem.at[p])
        pltpu.async_copy(de_hbm.at[pl.ds(b, _CH)], bufe.at[p], sem.at[p])

    start_load(0, 0)

    def chunk(j, carry):
        p = lax.rem(j, 2)

        @pl.when(j + 1 < _NCH)
        def _():
            start_load(j + 1, 1 - p)

        b = base + j * _CH
        pltpu.make_async_copy(mji_hbm.at[pl.ds(b, _CH)], bufm.at[p],
                              sem.at[p]).wait()
        pltpu.make_async_copy(de_hbm.at[pl.ds(b, _CH)], bufe.at[p],
                              sem.at[p]).wait()
        pltpu.sync_copy(bufm.at[p], acc_m.at[didx.at[j]], add=True)
        pltpu.sync_copy(bufe.at[p], acc_d.at[didx.at[j]], add=True)
        return carry

    lax.fori_loop(0, _NCH, chunk, 0)
    plsc.subcore_barrier()
    pltpu.sync_copy(acc_m.at[pl.ds(r0, _RPT)],
                    msgp_hbm.at[cid, pl.ds(r0, _RPT)])
    pltpu.sync_copy(acc_d.at[pl.ds(r0, _RPT)],
                    denp_hbm.at[cid, pl.ds(r0, _RPT)])


def _scatter_phase(dst, mji, de, init_m, init_d):
    sc_scatter = pl.kernel(
        _sc_scatter_body,
        out_type=(
            jax.ShapeDtypeStruct((2, _NP, _DF), F32),
            jax.ShapeDtypeStruct((2, _NP), F32),
        ),
        mesh=plsc.VectorSubcoreMesh(core_axis_name="c", subcore_axis_name="s",
                                    num_cores=2, num_subcores=16),
        scratch_types=[
            pltpu.VMEM((_NCH, _CH), jnp.int32),
            pltpu.VMEM((2, _CH, _DF), F32),
            pltpu.VMEM((2, _CH), F32),
            pltpu.SemaphoreType.DMA((2,)),
            pltpu.VMEM_SHARED((_NP, _DF), F32),
            pltpu.VMEM_SHARED((_NP,), F32),
        ],
    )
    return sc_scatter(dst.reshape(_NW, _NCH, _CH), mji, de, init_m, init_d)


def _final_body(msgp_ref, denp_ref, res_ref, w1_ref, w2_ref, a_ref, b_ref,
                out_ref):
    msg = msgp_ref[0] + msgp_ref[1]
    den = denp_ref[0] + denp_ref[1]
    lin = jnp.dot(msg, w1_ref[...], preferred_element_type=F32)
    m = lin / (den * b_ref[0, 0] + a_ref[0, 0]) + res_ref[...]
    m = m * jax.nn.sigmoid(m)
    out_ref[...] = jnp.dot(m, w2_ref[...], preferred_element_type=F32)


def _final(msgp, denp3, resp, w1n, w2n, a2, b2):
    tn = 1024
    grid = (_NP // tn,)
    full = lambda shape: pl.BlockSpec(shape, lambda i: (0, 0))
    smem = pl.BlockSpec((1, 1), lambda i: (0, 0), memory_space=pltpu.SMEM)
    return pl.pallas_call(
        _final_body,
        grid=grid,
        in_specs=[
            pl.BlockSpec((2, tn, _DF), lambda i: (0, i, 0)),
            pl.BlockSpec((2, tn, 1), lambda i: (0, i, 0)),
            pl.BlockSpec((tn, _DF), lambda i: (i, 0)),
            full((_DF, _DF)), full((_DF, _DF)),
            smem, smem,
        ],
        out_specs=pl.BlockSpec((tn, _DF), lambda i: (i, 0)),
        out_shape=jax.ShapeDtypeStruct((_NP, _DF), F32),
        compiler_params=pltpu.CompilerParams(
            dimension_semantics=("parallel",)),
    )(msgp, denp3, resp, w1n, w2n, a2, b2)


def kernel(node_attrs, node_feats, edge_attrs, edge_feats, edge_index,
           W_src, W_tgt, W_up, W_res, W_skip,
           W_tp1, W_tp2, W_tp3, W_tp4, W_d1, W_d2, W_1, W_2, alpha, beta):
    s_attr = math.sqrt(W_src.shape[0])
    s_aug = math.sqrt(W_tp1.shape[0])
    s_mid = math.sqrt(W_tp2.shape[0])
    s_feat = math.sqrt(W_up.shape[0])

    src = edge_index[:, 0].astype(jnp.int32)
    dst = edge_index[:, 1].astype(jnp.int32)

    cfold = 1.0 / (s_attr * s_aug)
    lo, hi = _DEF, _DEF + _DF
    wsf = jnp.concatenate([W_src @ W_tp1[lo:hi], W_src @ W_d1[lo:hi]],
                          axis=1) * cfold
    wdf = jnp.concatenate([W_tgt @ W_tp1[hi:], W_tgt @ W_d1[hi:]],
                          axis=1) * cfold

    tsu, td, resv, scv = _node_tables(
        node_attrs, node_feats, wsf, wdf,
        W_up / s_feat, W_res / s_feat, W_skip / s_feat)

    msgp = jnp.zeros((2, _NP, _DF), F32)
    denp = jnp.zeros((2, _NP), F32)
    for i in range(_PIECES):
        lo, hi2 = i * _EH, (i + 1) * _EH
        ga, gb = _gather_phase(tsu, td, src[lo:hi2], dst[lo:hi2])
        mji, dens_e = _edge_mlp(
            ga, gb, edge_feats[lo:hi2], edge_attrs[lo:hi2],
            W_tp1[0:_DEF] / s_aug, W_d1[0:_DEF] / s_aug,
            W_tp2 / s_mid, W_tp3 / s_mid, W_tp4 / s_mid, W_d2 / s_mid)
        msgp, denp = _scatter_phase(dst[lo:hi2], mji, dens_e.reshape(_EH),
                                    msgp, denp)

    resp = jnp.pad(resv, ((0, _NP - _N), (0, 0)))
    out_m = _final(msgp, denp.reshape(2, _NP, 1), resp,
                   W_1 / s_feat, W_2 / s_feat,
                   alpha.reshape(1, 1), beta.reshape(1, 1))

    return (out_m[:_N].reshape(_N, _DF, 1), scv)

# --- scband reference (transcript-rebuilt; emitter-appended) ---
"""Pipeline reference for scband-real-agnostic-residual-non-linear-interaction-block-84129819394066 (READ-ONLY COPY).

The authoritative reference and input builder live on the scoring server;
editing this copy changes nothing except your own understanding.
"""

import jax, jax.numpy as jnp
import numpy as np

N = 10000
E = 320000
D_ATTR = 10
D_FEAT = 128
D_EDGE_ATTR = 1
D_EDGE_FEAT = 8
AUG = D_EDGE_FEAT + 2 * D_FEAT  # 264


def setup_inputs(seed: int = 0) -> dict:
    key = jax.random.key(seed)
    ks = jax.random.split(key, 20)
    node_attrs = jax.random.uniform(ks[0], (N, D_ATTR), dtype=jnp.float32)
    node_feats = jax.random.normal(ks[1], (N, D_FEAT), dtype=jnp.float32)
    edge_attrs = jax.random.normal(ks[2], (E, D_EDGE_ATTR), dtype=jnp.float32)
    edge_feats = jax.random.normal(ks[3], (E, D_EDGE_FEAT), dtype=jnp.float32)
    edge_index = jax.random.randint(ks[4], (E, 2), 0, N, dtype=jnp.int64)
    W_src = jax.random.normal(ks[5], (D_ATTR, D_FEAT), dtype=jnp.float32)
    W_tgt = jax.random.normal(ks[6], (D_ATTR, D_FEAT), dtype=jnp.float32)
    W_up = jax.random.normal(ks[7], (D_FEAT, D_FEAT), dtype=jnp.float32)
    W_res = jax.random.normal(ks[8], (D_FEAT, D_FEAT), dtype=jnp.float32)
    W_skip = jax.random.normal(ks[9], (D_FEAT, D_FEAT), dtype=jnp.float32)
    W_tp1 = jax.random.normal(ks[10], (AUG, 64), dtype=jnp.float32)
    W_tp2 = jax.random.normal(ks[11], (64, 64), dtype=jnp.float32)
    W_tp3 = jax.random.normal(ks[12], (64, 64), dtype=jnp.float32)
    W_tp4 = jax.random.normal(ks[13], (64, D_FEAT), dtype=jnp.float32)
    W_d1 = jax.random.normal(ks[14], (AUG, 64), dtype=jnp.float32)
    W_d2 = jax.random.normal(ks[15], (64, 1), dtype=jnp.float32)
    W_1 = jax.random.normal(ks[16], (D_FEAT, D_FEAT), dtype=jnp.float32)
    W_2 = jax.random.normal(ks[17], (D_FEAT, D_FEAT), dtype=jnp.float32)
    alpha = jnp.ones((), dtype=jnp.float32) * 20.0
    beta = jnp.zeros((), dtype=jnp.float32)
    return {
        'node_attrs': node_attrs, 'node_feats': node_feats,
        'edge_attrs': edge_attrs, 'edge_feats': edge_feats,
        'edge_index': edge_index,
        'W_src': W_src, 'W_tgt': W_tgt, 'W_up': W_up, 'W_res': W_res,
        'W_skip': W_skip, 'W_tp1': W_tp1, 'W_tp2': W_tp2, 'W_tp3': W_tp3,
        'W_tp4': W_tp4, 'W_d1': W_d1, 'W_d2': W_d2, 'W_1': W_1, 'W_2': W_2,
        'alpha': alpha, 'beta': beta,
    }


def _lin(x, W):
    # e3nn-style Linear on scalar irreps: matmul with 1/sqrt(fan_in) normalization
    return (x @ W) / jnp.sqrt(jnp.asarray(W.shape[0], dtype=x.dtype))


def reference(node_attrs, node_feats, edge_attrs, edge_feats, edge_index,
              W_src, W_tgt, W_up, W_res, W_skip,
              W_tp1, W_tp2, W_tp3, W_tp4, W_d1, W_d2, W_1, W_2, alpha, beta):
    num_nodes = node_feats.shape[0]
    sc = _lin(node_feats, W_skip)                    # skip_tp
    node_feats_up = _lin(node_feats, W_up)           # linear_up
    node_feats_res = _lin(node_feats, W_res)         # linear_res
    source_embedding = _lin(node_attrs, W_src)
    target_embedding = _lin(node_attrs, W_tgt)
    src = edge_index[:, 0]
    dst = edge_index[:, 1]
    augmented_edge_feats = jnp.concatenate(
        [edge_feats, source_embedding[src], target_embedding[dst]], axis=-1)
    # conv_tp_weights: RadialMLP [264, 64, 64, 64, 128] with silu hidden activations
    h = jax.nn.silu(_lin(augmented_edge_feats, W_tp1))
    h = jax.nn.silu(_lin(h, W_tp2))
    h = jax.nn.silu(_lin(h, W_tp3))
    tp_weights = _lin(h, W_tp4)
    # density_fn: RadialMLP [264, 64, 1]
    d = jax.nn.silu(_lin(augmented_edge_feats, W_d1))
    edge_density = jnp.tanh(_lin(d, W_d2) ** 2)
    density = jax.ops.segment_sum(edge_density, dst, num_segments=num_nodes)
    # conv_tp: 128x0e (x) 1x0e -> 128x0e, uvu, per-edge external weights
    mji = node_feats_up[src] * edge_attrs * tp_weights
    message = jax.ops.segment_sum(mji, dst, num_segments=num_nodes)
    message = _lin(message, W_1) / (density * beta + alpha)
    message = message + node_feats_res
    # equivariant nonlinearity (Gate): scalar-only irreps -> silu
    message = jax.nn.silu(message)
    message = _lin(message, W_2)
    # reshape_irreps: [N, 128] -> [N, mul=128, ir_dim=1]
    return (message.reshape(num_nodes, D_FEAT, 1), sc)

if __name__ == "__main__":
    import jax
    _d = setup_inputs()
    print(jax.jit(kernel)(*tuple(_d.values())))

</pallas_src>

<mosaic_0001>
#map = affine_map<(d0, d1) -> (0, 0, 0)>
#map1 = affine_map<(d0, d1) -> (0, 0)>
#map2 = affine_map<(d0, d1) -> (0)>
module attributes {stable_mosaic.version = 14 : i64} {
  func.func @_sc_scatter_body(%arg0: i32, %arg1: i32, %arg2: memref<32x125x80xi32, #tpu.memory_space<hbm>>, %arg3: memref<320000x128xf32, #tpu.memory_space<hbm>>, %arg4: memref<320000xf32, #tpu.memory_space<hbm>>, %arg5: memref<2x10240x128xf32, #tpu.memory_space<hbm>>, %arg6: memref<2x10240xf32, #tpu.memory_space<hbm>>, %arg7: memref<2x10240x128xf32, #tpu.memory_space<hbm>>, %arg8: memref<2x10240xf32, #tpu.memory_space<hbm>>, %arg9: memref<125x80xi32, #tpu.memory_space<vmem>>, %arg10: memref<2x80x128xf32, #tpu.memory_space<vmem>>, %arg11: memref<2x80xf32, #tpu.memory_space<vmem>>, %arg12: memref<2x!tpu.dma_semaphore, #tpu.memory_space<semaphore_mem>>, %arg13: memref<10240x128xf32, #tpu.memory_space<vmem_shared>>, %arg14: memref<10240xf32, #tpu.memory_space<vmem_shared>>) attributes {dimension_semantics = [#tpu.dimension_semantics<core_parallel>, #tpu.dimension_semantics<subcore_parallel>], iteration_bounds = array<i64: 2, 16>, scalar_prefetch = 0 : i64, scratch_operands = 6 : i64, tpu.core_type = #tpu.core_type<sc_vector_subcore>, window_params = [{transform_indices = #map}, {transform_indices = #map1}, {transform_indices = #map2}, {transform_indices = #map}, {transform_indices = #map1}, {transform_indices = #map}, {transform_indices = #map1}]} {
    %mul3A = arith.constant 2 : i32
    %mul3A_0 = arith.muli %arg1, %mul3A : i32
    %add3A = arith.addi %mul3A_0, %arg0 : i32
    %mul3A_1 = arith.constant 640 : i32
    %mul3A_2 = arith.muli %arg1, %mul3A_1 : i32
    "tpu.region"() ({
      %run_scoped3A = tpu.sem_alloc : memref<!tpu.dma_semaphore, #tpu.memory_space<semaphore_mem>>
      %dma_start3A_40 = arith.constant 0 : i32
      %dma_start3A_41 = tpu.memref_slice %arg13[%mul3A_2, %dma_start3A_40] : memref<10240x128xf32, #tpu.memory_space<vmem_shared>> -> memref<640x128xf32, #tpu.memory_space<vmem_shared>>
      %dma_start3A_42 = arith.constant 0 : i32
      %dma_start3A_43 = tpu.memref_slice %arg5[%arg0, %mul3A_2, %dma_start3A_42] : memref<2x10240x128xf32, #tpu.memory_space<hbm>> -> memref<1x640x128xf32, #tpu.memory_space<hbm>>
      %dma_start3A_44 = tpu.memref_squeeze %dma_start3A_43 : memref<1x640x128xf32, #tpu.memory_space<hbm>> -> memref<640x128xf32, #tpu.memory_space<hbm>>
      tpu.enqueue_dma source(%dma_start3A_44 : memref<640x128xf32, #tpu.memory_space<hbm>>) target(%dma_start3A_41 : memref<640x128xf32, #tpu.memory_space<vmem_shared>>) target_semaphore(%run_scoped3A : memref<!tpu.dma_semaphore, #tpu.memory_space<semaphore_mem>>)
      %dma_wait3A = arith.constant 0 : i32
      %dma_wait3A_45 = tpu.memref_slice %arg13[%mul3A_2, %dma_wait3A] : memref<10240x128xf32, #tpu.memory_space<vmem_shared>> -> memref<640x128xf32, #tpu.memory_space<vmem_shared>>
      %dma_wait3A_46 = arith.constant 0 : i32
      %dma_wait3A_47 = tpu.memref_slice %arg5[%arg0, %mul3A_2, %dma_wait3A_46] : memref<2x10240x128xf32, #tpu.memory_space<hbm>> -> memref<1x640x128xf32, #tpu.memory_space<hbm>>
      %dma_wait3A_48 = tpu.memref_squeeze %dma_wait3A_47 : memref<1x640x128xf32, #tpu.memory_space<hbm>> -> memref<640x128xf32, #tpu.memory_space<hbm>>
      tpu.wait_dma2 semaphore(%run_scoped3A : memref<!tpu.dma_semaphore, #tpu.memory_space<semaphore_mem>>) src(%dma_wait3A_48 : memref<640x128xf32, #tpu.memory_space<hbm>>) dst(%dma_wait3A_45 : memref<640x128xf32, #tpu.memory_space<vmem_shared>>)
      tpu.yield
    }) : () -> ()
    "tpu.region"() ({
      %run_scoped3A = tpu.sem_alloc : memref<!tpu.dma_semaphore, #tpu.memory_space<semaphore_mem>>
      %dma_start3A_40 = tpu.memref_slice %arg14[%mul3A_2] : memref<10240xf32, #tpu.memory_space<vmem_shared>> -> memref<640xf32, #tpu.memory_space<vmem_shared>>
      %dma_start3A_41 = tpu.memref_slice %arg6[%arg0, %mul3A_2] : memref<2x10240xf32, #tpu.memory_space<hbm>> -> memref<1x640xf32, #tpu.memory_space<hbm>>
      %dma_start3A_42 = tpu.memref_squeeze %dma_start3A_41 : memref<1x640xf32, #tpu.memory_space<hbm>> -> memref<640xf32, #tpu.memory_space<hbm>>
      tpu.enqueue_dma source(%dma_start3A_42 : memref<640xf32, #tpu.memory_space<hbm>>) target(%dma_start3A_40 : memref<640xf32, #tpu.memory_space<vmem_shared>>) target_semaphore(%run_scoped3A : memref<!tpu.dma_semaphore, #tpu.memory_space<semaphore_mem>>)
      %dma_wait3A = tpu.memref_slice %arg14[%mul3A_2] : memref<10240xf32, #tpu.memory_space<vmem_shared>> -> memref<640xf32, #tpu.memory_space<vmem_shared>>
      %dma_wait3A_43 = tpu.memref_slice %arg6[%arg0, %mul3A_2] : memref<2x10240xf32, #tpu.memory_space<hbm>> -> memref<1x640xf32, #tpu.memory_space<hbm>>
      %dma_wait3A_44 = tpu.memref_squeeze %dma_wait3A_43 : memref<1x640xf32, #tpu.memory_space<hbm>> -> memref<640xf32, #tpu.memory_space<hbm>>
      tpu.wait_dma2 semaphore(%run_scoped3A : memref<!tpu.dma_semaphore, #tpu.memory_space<semaphore_mem>>) src(%dma_wait3A_44 : memref<640xf32, #tpu.memory_space<hbm>>) dst(%dma_wait3A : memref<640xf32, #tpu.memory_space<vmem_shared>>)
      tpu.yield
    }) : () -> ()
    "tpu.region"() ({
      %run_scoped3A = tpu.sem_alloc : memref<!tpu.dma_semaphore, #tpu.memory_space<semaphore_mem>>
      %dma_start3A_40 = arith.constant 0 : i32
      %dma_start3A_41 = arith.constant 0 : i32
      %dma_start3A_42 = tpu.memref_slice %arg2[%add3A, %dma_start3A_40, %dma_start3A_41] : memref<32x125x80xi32, #tpu.memory_space<hbm>> -> memref<1x125x80xi32, #tpu.memory_space<hbm>>
      %dma_start3A_43 = tpu.memref_squeeze %dma_start3A_42 : memref<1x125x80xi32, #tpu.memory_space<hbm>> -> memref<125x80xi32, #tpu.memory_space<hbm>>
      %dma_start3A_44 = arith.constant 0 : i32
      %dma_start3A_45 = arith.constant 0 : i32
      %dma_start3A_46 = tpu.memref_slice %arg2[%add3A, %dma_start3A_44, %dma_start3A_45] : memref<32x125x80xi32, #tpu.memory_space<hbm>> -> memref<1x125x80xi32, #tpu.memory_space<hbm>>
      %dma_start3A_47 = tpu.memref_squeeze %dma_start3A_46 : memref<1x125x80xi32, #tpu.memory_space<hbm>> -> memref<125x80xi32, #tpu.memory_space<hbm>>
      tpu.enqueue_dma source(%dma_start3A_47 : memref<125x80xi32, #tpu.memory_space<hbm>>) target(%arg9 : memref<125x80xi32, #tpu.memory_space<vmem>>) target_semaphore(%run_scoped3A : memref<!tpu.dma_semaphore, #tpu.memory_space<semaphore_mem>>)
      %dma_wait3A = arith.constant 0 : i32
      %dma_wait3A_48 = arith.constant 0 : i32
      %dma_wait3A_49 = tpu.memref_slice %arg2[%add3A, %dma_wait3A, %dma_wait3A_48] : memref<32x125x80xi32, #tpu.memory_space<hbm>> -> memref<1x125x80xi32, #tpu.memory_space<hbm>>
      %dma_wait3A_50 = tpu.memref_squeeze %dma_wait3A_49 : memref<1x125x80xi32, #tpu.memory_space<hbm>> -> memref<125x80xi32, #tpu.memory_space<hbm>>
      %dma_wait3A_51 = arith.constant 0 : i32
      %dma_wait3A_52 = arith.constant 0 : i32
      %dma_wait3A_53 = tpu.memref_slice %arg2[%add3A, %dma_wait3A_51, %dma_wait3A_52] : memref<32x125x80xi32, #tpu.memory_space<hbm>> -> memref<1x125x80xi32, #tpu.memory_space<hbm>>
      %dma_wait3A_54 = tpu.memref_squeeze %dma_wait3A_53 : memref<1x125x80xi32, #tpu.memory_space<hbm>> -> memref<125x80xi32, #tpu.memory_space<hbm>>
      tpu.wait_dma2 semaphore(%run_scoped3A : memref<!tpu.dma_semaphore, #tpu.memory_space<semaphore_mem>>) src(%dma_wait3A_54 : memref<125x80xi32, #tpu.memory_space<hbm>>) dst(%arg9 : memref<125x80xi32, #tpu.memory_space<vmem>>)
      tpu.yield
    }) : () -> ()
    %barrier3A = arith.constant 0 : index
    tpu.barrier barrier_id(%barrier3A)
    %mul3A_3 = arith.constant 10000 : i32
    %mul3A_4 = arith.muli %add3A, %mul3A_3 : i32
    %add3A_5 = arith.constant 0 : i32
    %add3A_6 = arith.addi %mul3A_4, %add3A_5 : i32
    %dma_start3A = arith.constant 0 : i32
    %dma_start3A_7 = arith.constant 0 : i32
    %dma_start3A_8 = arith.constant 0 : i32
    %dma_start3A_9 = arith.constant 0 : i32
    %dma_start3A_10 = tpu.memref_slice %arg10[%dma_start3A, %dma_start3A_8, %dma_start3A_9] : memref<2x80x128xf32, #tpu.memory_space<vmem>> -> memref<1x80x128xf32, #tpu.memory_space<vmem>>
    %dma_start3A_11 = tpu.memref_squeeze %dma_start3A_10 : memref<1x80x128xf32, #tpu.memory_space<vmem>> -> memref<80x128xf32, #tpu.memory_space<vmem>>
    %dma_start3A_12 = arith.constant 0 : i32
    %dma_start3A_13 = tpu.memref_slice %arg3[%add3A_6, %dma_start3A_12] : memref<320000x128xf32, #tpu.memory_space<hbm>> -> memref<80x128xf32, #tpu.memory_space<hbm>>
    %dma_start3A_14 = tpu.memref_slice %arg12[%dma_start3A_7] : memref<2x!tpu.dma_semaphore, #tpu.memory_space<semaphore_mem>> -> memref<1x!tpu.dma_semaphore, #tpu.memory_space<semaphore_mem>>
    %dma_start3A_15 = tpu.memref_squeeze %dma_start3A_14 : memref<1x!tpu.dma_semaphore, #tpu.memory_space<semaphore_mem>> -> memref<!tpu.dma_semaphore, #tpu.memory_space<semaphore_mem>>
    %dma_start3A_16 = arith.constant 0 : i32
    %dma_start3A_17 = arith.constant 0 : i32
    %dma_start3A_18 = tpu.memref_slice %arg10[%dma_start3A, %dma_start3A_16, %dma_start3A_17] : memref<2x80x128xf32, #tpu.memory_space<vmem>> -> memref<1x80x128xf32, #tpu.memory_space<vmem>>
    %dma_start3A_19 = tpu.memref_squeeze %dma_start3A_18 : memref<1x80x128xf32, #tpu.memory_space<vmem>> -> memref<80x128xf32, #tpu.memory_space<vmem>>
    %dma_start3A_20 = arith.constant 0 : i32
    %dma_start3A_21 = tpu.memref_slice %arg3[%add3A_6, %dma_start3A_20] : memref<320000x128xf32, #tpu.memory_space<hbm>> -> memref<80x128xf32, #tpu.memory_space<hbm>>
    tpu.enqueue_dma source(%dma_start3A_21 : memref<80x128xf32, #tpu.memory_space<hbm>>) target(%dma_start3A_19 : memref<80x128xf32, #tpu.memory_space<vmem>>) target_semaphore(%dma_start3A_15 : memref<!tpu.dma_semaphore, #tpu.memory_space<semaphore_mem>>)
    %dma_start3A_22 = arith.constant 0 : i32
    %dma_start3A_23 = arith.constant 0 : i32
    %dma_start3A_24 = arith.constant 0 : i32
    %dma_start3A_25 = tpu.memref_slice %arg11[%dma_start3A_22, %dma_start3A_24] : memref<2x80xf32, #tpu.memory_space<vmem>> -> memref<1x80xf32, #tpu.memory_space<vmem>>
    %dma_start3A_26 = tpu.memref_squeeze %dma_start3A_25 : memref<1x80xf32, #tpu.memory_space<vmem>> -> memref<80xf32, #tpu.memory_space<vmem>>
    %dma_start3A_27 = tpu.memref_slice %arg4[%add3A_6] : memref<320000xf32, #tpu.memory_space<hbm>> -> memref<80xf32, #tpu.memory_space<hbm>>
    %dma_start3A_28 = tpu.memref_slice %arg12[%dma_start3A_23] : memref<2x!tpu.dma_semaphore, #tpu.memory_space<semaphore_mem>> -> memref<1x!tpu.dma_semaphore, #tpu.memory_space<semaphore_mem>>
    %dma_start3A_29 = tpu.memref_squeeze %dma_start3A_28 : memref<1x!tpu.dma_semaphore, #tpu.memory_space<semaphore_mem>> -> memref<!tpu.dma_semaphore, #tpu.memory_space<semaphore_mem>>
    %dma_start3A_30 = arith.constant 0 : i32
    %dma_start3A_31 = tpu.memref_slice %arg11[%dma_start3A_22, %dma_start3A_30] : memref<2x80xf32, #tpu.memory_space<vmem>> -> memref<1x80xf32, #tpu.memory_space<vmem>>
    %dma_start3A_32 = tpu.memref_squeeze %dma_start3A_31 : memref<1x80xf32, #tpu.memory_space<vmem>> -> memref<80xf32, #tpu.memory_space<vmem>>
    %dma_start3A_33 = tpu.memref_slice %arg4[%add3A_6] : memref<320000xf32, #tpu.memory_space<hbm>> -> memref<80xf32, #tpu.memory_space<hbm>>
    tpu.enqueue_dma source(%dma_start3A_33 : memref<80xf32, #tpu.memory_space<hbm>>) target(%dma_start3A_32 : memref<80xf32, #tpu.memory_space<vmem>>) target_semaphore(%dma_start3A_29 : memref<!tpu.dma_semaphore, #tpu.memory_space<semaphore_mem>>)
    %scan3A = arith.constant 0 : i32
    %scan3A_34 = arith.constant 0 : i32
    %scan3A_35 = arith.constant 125 : i32
    %scan3A_36 = arith.addi %scan3A_34, %scan3A_35 : i32
    %scan3A_37 = arith.constant 1 : i32
    scf.for %scan3A_40 = %scan3A_34 to %scan3A_36 step %scan3A_37  : i32 {
      %rem3A = arith.constant 2 : i32
      %rem3A_41 = arith.remsi %scan3A_40, %rem3A : i32
      %add3A_42 = arith.constant 1 : i32
      %add3A_43 = arith.addi %scan3A_40, %add3A_42 : i32
      %lt3A = arith.constant 125 : i32
      %lt3A_44 = arith.cmpi slt, %add3A_43, %lt3A : i32
      %convert_element_type3A = arith.extui %lt3A_44 : i1 to i32
      %cond3A = arith.constant 0 : i32
      %cond3A_45 = arith.cmpi ne, %convert_element_type3A, %cond3A : i32
      scf.if %cond3A_45 {
        %add3A_72 = arith.constant 1 : i32
        %add3A_73 = arith.addi %scan3A_40, %add3A_72 : i32
        %sub3A = arith.constant 1 : i32
        %sub3A_74 = arith.subi %sub3A, %rem3A_41 : i32
        %mul3A_75 = arith.constant 80 : i32
        %mul3A_76 = arith.muli %add3A_73, %mul3A_75 : i32
        %add3A_77 = arith.addi %mul3A_4, %mul3A_76 : i32
        %dma_start3A_78 = arith.constant 0 : i32
        %dma_start3A_79 = arith.constant 0 : i32
        %dma_start3A_80 = tpu.memref_slice %arg10[%sub3A_74, %dma_start3A_78, %dma_start3A_79] : memref<2x80x128xf32, #tpu.memory_space<vmem>> -> memref<1x80x128xf32, #tpu.memory_space<vmem>>
        %dma_start3A_81 = tpu.memref_squeeze %dma_start3A_80 : memref<1x80x128xf32, #tpu.memory_space<vmem>> -> memref<80x128xf32, #tpu.memory_space<vmem>>
        %dma_start3A_82 = arith.constant 0 : i32
        %dma_start3A_83 = tpu.memref_slice %arg3[%add3A_77, %dma_start3A_82] : memref<320000x128xf32, #tpu.memory_space<hbm>> -> memref<80x128xf32, #tpu.memory_space<hbm>>
        %dma_start3A_84 = tpu.memref_slice %arg12[%sub3A_74] : memref<2x!tpu.dma_semaphore, #tpu.memory_space<semaphore_mem>> -> memref<1x!tpu.dma_semaphore, #tpu.memory_space<semaphore_mem>>
        %dma_start3A_85 = tpu.memref_squeeze %dma_start3A_84 : memref<1x!tpu.dma_semaphore, #tpu.memory_space<semaphore_mem>> -> memref<!tpu.dma_semaphore, #tpu.memory_space<semaphore_mem>>
        %dma_start3A_86 = arith.constant 0 : i32
        %dma_start3A_87 = arith.constant 0 : i32
        %dma_start3A_88 = tpu.memref_slice %arg10[%sub3A_74, %dma_start3A_86, %dma_start3A_87] : memref<2x80x128xf32, #tpu.memory_space<vmem>> -> memref<1x80x128xf32, #tpu.memory_space<vmem>>
        %dma_start3A_89 = tpu.memref_squeeze %dma_start3A_88 : memref<1x80x128xf32, #tpu.memory_space<vmem>> -> memref<80x128xf32, #tpu.memory_space<vmem>>
        %dma_start3A_90 = arith.constant 0 : i32
        %dma_start3A_91 = tpu.memref_slice %arg3[%add3A_77, %dma_start3A_90] : memref<320000x128xf32, #tpu.memory_space<hbm>> -> memref<80x128xf32, #tpu.memory_space<hbm>>
        tpu.enqueue_dma source(%dma_start3A_91 : memref<80x128xf32, #tpu.memory_space<hbm>>) target(%dma_start3A_89 : memref<80x128xf32, #tpu.memory_space<vmem>>) target_semaphore(%dma_start3A_85 : memref<!tpu.dma_semaphore, #tpu.memory_space<semaphore_mem>>)
        %dma_start3A_92 = arith.constant 0 : i32
        %dma_start3A_93 = tpu.memref_slice %arg11[%sub3A_74, %dma_start3A_92] : memref<2x80xf32, #tpu.memory_space<vmem>> -> memref<1x80xf32, #tpu.memory_space<vmem>>
        %dma_start3A_94 = tpu.memref_squeeze %dma_start3A_93 : memref<1x80xf32, #tpu.memory_space<vmem>> -> memref<80xf32, #tpu.memory_space<vmem>>
        %dma_start3A_95 = tpu.memref_slice %arg4[%add3A_77] : memref<320000xf32, #tpu.memory_space<hbm>> -> memref<80xf32, #tpu.memory_space<hbm>>
        %dma_start3A_96 = tpu.memref_slice %arg12[%sub3A_74] : memref<2x!tpu.dma_semaphore, #tpu.memory_space<semaphore_mem>> -> memref<1x!tpu.dma_semaphore, #tpu.memory_space<semaphore_mem>>
        %dma_start3A_97 = tpu.memref_squeeze %dma_start3A_96 : memref<1x!tpu.dma_semaphore, #tpu.memory_space<semaphore_mem>> -> memref<!tpu.dma_semaphore, #tpu.memory_space<semaphore_mem>>
        %dma_start3A_98 = arith.constant 0 : i32
        %dma_start3A_99 = tpu.memref_slice %arg11[%sub3A_74, %dma_start3A_98] : memref<2x80xf32, #tpu.memory_space<vmem>> -> memref<1x80xf32, #tpu.memory_space<vmem>>
        %dma_start3A_100 = tpu.memref_squeeze %dma_start3A_99 : memref<1x80xf32, #tpu.memory_space<vmem>> -> memref<80xf32, #tpu.memory_space<vmem>>
        %dma_start3A_101 = tpu.memref_slice %arg4[%add3A_77] : memref<320000xf32, #tpu.memory_space<hbm>> -> memref<80xf32, #tpu.memory_space<hbm>>
        tpu.enqueue_dma source(%dma_start3A_101 : memref<80xf32, #tpu.memory_space<hbm>>) target(%dma_start3A_100 : memref<80xf32, #tpu.memory_space<vmem>>) target_semaphore(%dma_start3A_97 : memref<!tpu.dma_semaphore, #tpu.memory_space<semaphore_mem>>)
      } else {
      }
      %mul3A_46 = arith.constant 80 : i32
      %mul3A_47 = arith.muli %scan3A_40, %mul3A_46 : i32
      %add3A_48 = arith.addi %mul3A_4, %mul3A_47 : i32
      %dma_wait3A = arith.constant 0 : i32
      %dma_wait3A_49 = arith.constant 0 : i32
      %dma_wait3A_50 = tpu.memref_slice %arg10[%rem3A_41, %dma_wait3A, %dma_wait3A_49] : memref<2x80x128xf32, #tpu.memory_space<vmem>> -> memref<1x80x128xf32, #tpu.memory_space<vmem>>
      %dma_wait3A_51 = tpu.memref_squeeze %dma_wait3A_50 : memref<1x80x128xf32, #tpu.memory_space<vmem>> -> memref<80x128xf32, #tpu.memory_space<vmem>>
      %dma_wait3A_52 = arith.constant 0 : i32
      %dma_wait3A_53 = tpu.memref_slice %arg3[%add3A_48, %dma_wait3A_52] : memref<320000x128xf32, #tpu.memory_space<hbm>> -> memref<80x128xf32, #tpu.memory_space<hbm>>
      %dma_wait3A_54 = tpu.memref_slice %arg12[%rem3A_41] : memref<2x!tpu.dma_semaphore, #tpu.memory_space<semaphore_mem>> -> memref<1x!tpu.dma_semaphore, #tpu.memory_space<semaphore_mem>>
      %dma_wait3A_55 = tpu.memref_squeeze %dma_wait3A_54 : memref<1x!tpu.dma_semaphore, #tpu.memory_space<semaphore_mem>> -> memref<!tpu.dma_semaphore, #tpu.memory_space<semaphore_mem>>
      %dma_wait3A_56 = arith.constant 0 : i32
      %dma_wait3A_57 = arith.constant 0 : i32
      %dma_wait3A_58 = tpu.memref_slice %arg10[%rem3A_41, %dma_wait3A_56, %dma_wait3A_57] : memref<2x80x128xf32, #tpu.memory_space<vmem>> -> memref<1x80x128xf32, #tpu.memory_space<vmem>>
      %dma_wait3A_59 = tpu.memref_squeeze %dma_wait3A_58 : memref<1x80x128xf32, #tpu.memory_space<vmem>> -> memref<80x128xf32, #tpu.memory_space<vmem>>
      %dma_wait3A_60 = arith.constant 0 : i32
      %dma_wait3A_61 = tpu.memref_slice %arg3[%add3A_48, %dma_wait3A_60] : memref<320000x128xf32, #tpu.memory_space<hbm>> -> memref<80x128xf32, #tpu.memory_space<hbm>>
      tpu.wait_dma2 semaphore(%dma_wait3A_55 : memref<!tpu.dma_semaphore, #tpu.memory_space<semaphore_mem>>) src(%dma_wait3A_61 : memref<80x128xf32, #tpu.memory_space<hbm>>) dst(%dma_wait3A_59 : memref<80x128xf32, #tpu.memory_space<vmem>>)
      %dma_wait3A_62 = arith.constant 0 : i32
      %dma_wait3A_63 = tpu.memref_slice %arg11[%rem3A_41, %dma_wait3A_62] : memref<2x80xf32, #tpu.memory_space<vmem>> -> memref<1x80xf32, #tpu.memory_space<vmem>>
      %dma_wait3A_64 = tpu.memref_squeeze %dma_wait3A_63 : memref<1x80xf32, #tpu.memory_space<vmem>> -> memref<80xf32, #tpu.memory_space<vmem>>
      %dma_wait3A_65 = tpu.memref_slice %arg4[%add3A_48] : memref<320000xf32, #tpu.memory_space<hbm>> -> memref<80xf32, #tpu.memory_space<hbm>>
      %dma_wait3A_66 = tpu.memref_slice %arg12[%rem3A_41] : memref<2x!tpu.dma_semaphore, #tpu.memory_space<semaphore_mem>> -> memref<1x!tpu.dma_semaphore, #tpu.memory_space<semaphore_mem>>
      %dma_wait3A_67 = tpu.memref_squeeze %dma_wait3A_66 : memref<1x!tpu.dma_semaphore, #tpu.memory_space<semaphore_mem>> -> memref<!tpu.dma_semaphore, #tpu.memory_space<semaphore_mem>>
      %dma_wait3A_68 = arith.constant 0 : i32
      %dma_wait3A_69 = tpu.memref_slice %arg11[%rem3A_41, %dma_wait3A_68] : memref<2x80xf32, #tpu.memory_space<vmem>> -> memref<1x80xf32, #tpu.memory_space<vmem>>
      %dma_wait3A_70 = tpu.memref_squeeze %dma_wait3A_69 : memref<1x80xf32, #tpu.memory_space<vmem>> -> memref<80xf32, #tpu.memory_space<vmem>>
      %dma_wait3A_71 = tpu.memref_slice %arg4[%add3A_48] : memref<320000xf32, #tpu.memory_space<hbm>> -> memref<80xf32, #tpu.memory_space<hbm>>
      tpu.wait_dma2 semaphore(%dma_wait3A_67 : memref<!tpu.dma_semaphore, #tpu.memory_space<semaphore_mem>>) src(%dma_wait3A_71 : memref<80xf32, #tpu.memory_space<hbm>>) dst(%dma_wait3A_70 : memref<80xf32, #tpu.memory_space<vmem>>)
      "tpu.region"() ({
        %run_scoped3A = tpu.sem_alloc : memref<!tpu.dma_semaphore, #tpu.memory_space<semaphore_mem>>
        %dma_start3A_72 = arith.constant 0 : i32
        %dma_start3A_73 = arith.constant 0 : i32
        %dma_start3A_74 = tpu.memref_slice %arg10[%rem3A_41, %dma_start3A_72, %dma_start3A_73] : memref<2x80x128xf32, #tpu.memory_space<vmem>> -> memref<1x80x128xf32, #tpu.memory_space<vmem>>
        %dma_start3A_75 = tpu.memref_squeeze %dma_start3A_74 : memref<1x80x128xf32, #tpu.memory_space<vmem>> -> memref<80x128xf32, #tpu.memory_space<vmem>>
        %dma_start3A_76 = arith.constant 0 : i32
        %dma_start3A_77 = tpu.memref_slice %arg9[%scan3A_40, %dma_start3A_76] : memref<125x80xi32, #tpu.memory_space<vmem>> -> memref<1x80xi32, #tpu.memory_space<vmem>>
        %dma_start3A_78 = tpu.memref_squeeze %dma_start3A_77 : memref<1x80xi32, #tpu.memory_space<vmem>> -> memref<80xi32, #tpu.memory_space<vmem>>
        %dma_start3A_79 = arith.constant 0 : i32
        %dma_start3A_80 = arith.constant 0 : i32
        %dma_start3A_81 = tpu.memref_slice %arg13[%dma_start3A_79, %dma_start3A_80] : memref<10240x128xf32, #tpu.memory_space<vmem_shared>> -> memref<10240x128xf32, #tpu.memory_space<vmem_shared>>
        tpu.enqueue_indirect_dma source(%dma_start3A_75 : memref<80x128xf32, #tpu.memory_space<vmem>>) target(%dma_start3A_81 : memref<10240x128xf32, #tpu.memory_space<vmem_shared>>) offsets(%dma_start3A_78 : memref<80xi32, #tpu.memory_space<vmem>>) semaphore(%run_scoped3A : memref<!tpu.dma_semaphore, #tpu.memory_space<semaphore_mem>>) {add = true}
        %dma_wait3A_82 = arith.constant 0 : i32
        %dma_wait3A_83 = arith.constant 0 : i32
        %dma_wait3A_84 = tpu.memref_slice %arg10[%rem3A_41, %dma_wait3A_82, %dma_wait3A_83] : memref<2x80x128xf32, #tpu.memory_space<vmem>> -> memref<1x80x128xf32, #tpu.memory_space<vmem>>
        %dma_wait3A_85 = tpu.memref_squeeze %dma_wait3A_84 : memref<1x80x128xf32, #tpu.memory_space<vmem>> -> memref<80x128xf32, #tpu.memory_space<vmem>>
        %dma_wait3A_86 = arith.constant 0 : i32
        %dma_wait3A_87 = tpu.memref_slice %arg9[%scan3A_40, %dma_wait3A_86] : memref<125x80xi32, #tpu.memory_space<vmem>> -> memref<1x80xi32, #tpu.memory_space<vmem>>
        %dma_wait3A_88 = tpu.memref_squeeze %dma_wait3A_87 : memref<1x80xi32, #tpu.memory_space<vmem>> -> memref<80xi32, #tpu.memory_space<vmem>>
        %dma_wait3A_89 = arith.constant 0 : i32
        %dma_wait3A_90 = arith.constant 0 : i32
        %dma_wait3A_91 = tpu.memref_slice %arg13[%dma_wait3A_89, %dma_wait3A_90] : memref<10240x128xf32, #tpu.memory_space<vmem_shared>> -> memref<10240x128xf32, #tpu.memory_space<vmem_shared>>
        tpu.wait_indirect_dma semaphore(%run_scoped3A : memref<!tpu.dma_semaphore, #tpu.memory_space<semaphore_mem>>) src(%dma_wait3A_85 : memref<80x128xf32, #tpu.memory_space<vmem>>) dst(%dma_wait3A_91 : memref<10240x128xf32, #tpu.memory_space<vmem_shared>>)
        tpu.yield
      }) : () -> ()
      "tpu.region"() ({
        %run_scoped3A = tpu.sem_alloc : memref<!tpu.dma_semaphore, #tpu.memory_space<semaphore_mem>>
        %dma_start3A_72 = arith.constant 0 : i32
        %dma_start3A_73 = tpu.memref_slice %arg11[%rem3A_41, %dma_start3A_72] : memref<2x80xf32, #tpu.memory_space<vmem>> -> memref<1x80xf32, #tpu.memory_space<vmem>>
        %dma_start3A_74 = tpu.memref_squeeze %dma_start3A_73 : memref<1x80xf32, #tpu.memory_space<vmem>> -> memref<80xf32, #tpu.memory_space<vmem>>
        %dma_start3A_75 = arith.constant 0 : i32
        %dma_start3A_76 = tpu.memref_slice %arg9[%scan3A_40, %dma_start3A_75] : memref<125x80xi32, #tpu.memory_space<vmem>> -> memref<1x80xi32, #tpu.memory_space<vmem>>
        %dma_start3A_77 = tpu.memref_squeeze %dma_start3A_76 : memref<1x80xi32, #tpu.memory_space<vmem>> -> memref<80xi32, #tpu.memory_space<vmem>>
        %dma_start3A_78 = arith.constant 0 : i32
        %dma_start3A_79 = tpu.memref_slice %arg14[%dma_start3A_78] : memref<10240xf32, #tpu.memory_space<vmem_shared>> -> memref<10240xf32, #tpu.memory_space<vmem_shared>>
        tpu.enqueue_indirect_dma source(%dma_start3A_74 : memref<80xf32, #tpu.memory_space<vmem>>) target(%dma_start3A_79 : memref<10240xf32, #tpu.memory_space<vmem_shared>>) offsets(%dma_start3A_77 : memref<80xi32, #tpu.memory_space<vmem>>) semaphore(%run_scoped3A : memref<!tpu.dma_semaphore, #tpu.memory_space<semaphore_mem>>) {add = true}
        %dma_wait3A_80 = arith.constant 0 : i32
        %dma_wait3A_81 = tpu.memref_slice %arg11[%rem3A_41, %dma_wait3A_80] : memref<2x80xf32, #tpu.memory_space<vmem>> -> memref<1x80xf32, #tpu.memory_space<vmem>>
        %dma_wait3A_82 = tpu.memref_squeeze %dma_wait3A_81 : memref<1x80xf32, #tpu.memory_space<vmem>> -> memref<80xf32, #tpu.memory_space<vmem>>
        %dma_wait3A_83 = arith.constant 0 : i32
        %dma_wait3A_84 = tpu.memref_slice %arg9[%scan3A_40, %dma_wait3A_83] : memref<125x80xi32, #tpu.memory_space<vmem>> -> memref<1x80xi32, #tpu.memory_space<vmem>>
        %dma_wait3A_85 = tpu.memref_squeeze %dma_wait3A_84 : memref<1x80xi32, #tpu.memory_space<vmem>> -> memref<80xi32, #tpu.memory_space<vmem>>
        %dma_wait3A_86 = arith.constant 0 : i32
        %dma_wait3A_87 = tpu.memref_slice %arg14[%dma_wait3A_86] : memref<10240xf32, #tpu.memory_space<vmem_shared>> -> memref<10240xf32, #tpu.memory_space<vmem_shared>>
        tpu.wait_indirect_dma semaphore(%run_scoped3A : memref<!tpu.dma_semaphore, #tpu.memory_space<semaphore_mem>>) src(%dma_wait3A_82 : memref<80xf32, #tpu.memory_space<vmem>>) dst(%dma_wait3A_87 : memref<10240xf32, #tpu.memory_space<vmem_shared>>)
        tpu.yield
      }) : () -> ()
    }
    %scan3A_38 = arith.constant 125 : i32
    %barrier3A_39 = arith.constant 0 : index
    tpu.barrier barrier_id(%barrier3A_39)
    "tpu.region"() ({
      %run_scoped3A = tpu.sem_alloc : memref<!tpu.dma_semaphore, #tpu.memory_space<semaphore_mem>>
      %dma_start3A_40 = arith.constant 0 : i32
      %dma_start3A_41 = tpu.memref_slice %arg7[%arg0, %mul3A_2, %dma_start3A_40] : memref<2x10240x128xf32, #tpu.memory_space<hbm>> -> memref<1x640x128xf32, #tpu.memory_space<hbm>>
      %dma_start3A_42 = tpu.memref_squeeze %dma_start3A_41 : memref<1x640x128xf32, #tpu.memory_space<hbm>> -> memref<640x128xf32, #tpu.memory_space<hbm>>
      %dma_start3A_43 = arith.constant 0 : i32
      %dma_start3A_44 = tpu.memref_slice %arg13[%mul3A_2, %dma_start3A_43] : memref<10240x128xf32, #tpu.memory_space<vmem_shared>> -> memref<640x128xf32, #tpu.memory_space<vmem_shared>>
      tpu.enqueue_dma source(%dma_start3A_44 : memref<640x128xf32, #tpu.memory_space<vmem_shared>>) target(%dma_start3A_42 : memref<640x128xf32, #tpu.memory_space<hbm>>) target_semaphore(%run_scoped3A : memref<!tpu.dma_semaphore, #tpu.memory_space<semaphore_mem>>)
      %dma_wait3A = arith.constant 0 : i32
      %dma_wait3A_45 = tpu.memref_slice %arg7[%arg0, %mul3A_2, %dma_wait3A] : memref<2x10240x128xf32, #tpu.memory_space<hbm>> -> memref<1x640x128xf32, #tpu.memory_space<hbm>>
      %dma_wait3A_46 = tpu.memref_squeeze %dma_wait3A_45 : memref<1x640x128xf32, #tpu.memory_space<hbm>> -> memref<640x128xf32, #tpu.memory_space<hbm>>
      %dma_wait3A_47 = arith.constant 0 : i32
      %dma_wait3A_48 = tpu.memref_slice %arg13[%mul3A_2, %dma_wait3A_47] : memref<10240x128xf32, #tpu.memory_space<vmem_shared>> -> memref<640x128xf32, #tpu.memory_space<vmem_shared>>
      tpu.wait_dma2 semaphore(%run_scoped3A : memref<!tpu.dma_semaphore, #tpu.memory_space<semaphore_mem>>) src(%dma_wait3A_48 : memref<640x128xf32, #tpu.memory_space<vmem_shared>>) dst(%dma_wait3A_46 : memref<640x128xf32, #tpu.memory_space<hbm>>)
      tpu.yield
    }) : () -> ()
    "tpu.region"() ({
      %run_scoped3A = tpu.sem_alloc : memref<!tpu.dma_semaphore, #tpu.memory_space<semaphore_mem>>
      %dma_start3A_40 = tpu.memref_slice %arg8[%arg0, %mul3A_2] : memref<2x10240xf32, #tpu.memory_space<hbm>> -> memref<1x640xf32, #tpu.memory_space<hbm>>
      %dma_start3A_41 = tpu.memref_squeeze %dma_start3A_40 : memref<1x640xf32, #tpu.memory_space<hbm>> -> memref<640xf32, #tpu.memory_space<hbm>>
      %dma_start3A_42 = tpu.memref_slice %arg14[%mul3A_2] : memref<10240xf32, #tpu.memory_space<vmem_shared>> -> memref<640xf32, #tpu.memory_space<vmem_shared>>
      tpu.enqueue_dma source(%dma_start3A_42 : memref<640xf32, #tpu.memory_space<vmem_shared>>) target(%dma_start3A_41 : memref<640xf32, #tpu.memory_space<hbm>>) target_semaphore(%run_scoped3A : memref<!tpu.dma_semaphore, #tpu.memory_space<semaphore_mem>>)
      %dma_wait3A = tpu.memref_slice %arg8[%arg0, %mul3A_2] : memref<2x10240xf32, #tpu.memory_space<hbm>> -> memref<1x640xf32, #tpu.memory_space<hbm>>
      %dma_wait3A_43 = tpu.memref_squeeze %dma_wait3A : memref<1x640xf32, #tpu.memory_space<hbm>> -> memref<640xf32, #tpu.memory_space<hbm>>
      %dma_wait3A_44 = tpu.memref_slice %arg14[%mul3A_2] : memref<10240xf32, #tpu.memory_space<vmem_shared>> -> memref<640xf32, #tpu.memory_space<vmem_shared>>
      tpu.wait_dma2 semaphore(%run_scoped3A : memref<!tpu.dma_semaphore, #tpu.memory_space<semaphore_mem>>) src(%dma_wait3A_44 : memref<640xf32, #tpu.memory_space<vmem_shared>>) dst(%dma_wait3A_43 : memref<640xf32, #tpu.memory_space<hbm>>)
      tpu.yield
    }) : () -> ()
    return
  }
}

#map = affine_map<(d0, d1) -> (0, 0)>
#map1 = affine_map<(d0, d1) -> (0, 0, 0)>
module attributes {stable_mosaic.version = 14 : i64} {
  func.func @_sc_gather_body(%arg0: i32, %arg1: i32, %arg2: memref<10000x128xi32, #tpu.memory_space<hbm>>, %arg3: memref<10000x128xi32, #tpu.memory_space<hbm>>, %arg4: memref<32x125x80xi32, #tpu.memory_space<hbm>>, %arg5: memref<32x125x80xi32, #tpu.memory_space<hbm>>, %arg6: memref<320000x128xi32, #tpu.memory_space<hbm>>, %arg7: memref<320000x128xi32, #tpu.memory_space<hbm>>, %arg8: memref<125x80xi32, #tpu.memory_space<vmem>>, %arg9: memref<125x80xi32, #tpu.memory_space<vmem>>, %arg10: memref<2x80x128xi32, #tpu.memory_space<vmem>>, %arg11: memref<2x80x128xi32, #tpu.memory_space<vmem>>, %arg12: memref<2x!tpu.dma_semaphore, #tpu.memory_space<semaphore_mem>>, %arg13: memref<2x!tpu.dma_semaphore, #tpu.memory_space<semaphore_mem>>) attributes {dimension_semantics = [#tpu.dimension_semantics<core_parallel>, #tpu.dimension_semantics<subcore_parallel>], iteration_bounds = array<i64: 2, 16>, scalar_prefetch = 0 : i64, scratch_operands = 6 : i64, tpu.core_type = #tpu.core_type<sc_vector_subcore>, window_params = [{transform_indices = #map}, {transform_indices = #map}, {transform_indices = #map1}, {transform_indices = #map1}, {transform_indices = #map}, {transform_indices = #map}]} {
    %mul3A = arith.constant 2 : i32
    %mul3A_0 = arith.muli %arg1, %mul3A : i32
    %add3A = arith.addi %mul3A_0, %arg0 : i32
    %mul3A_1 = arith.constant 10000 : i32
    %mul3A_2 = arith.muli %add3A, %mul3A_1 : i32
    "tpu.region"() ({
      %run_scoped3A = tpu.sem_alloc : memref<!tpu.dma_semaphore, #tpu.memory_space<semaphore_mem>>
      %dma_start3A_104 = arith.constant 0 : i32
      %dma_start3A_105 = arith.constant 0 : i32
      %dma_start3A_106 = tpu.memref_slice %arg4[%add3A, %dma_start3A_104, %dma_start3A_105] : memref<32x125x80xi32, #tpu.memory_space<hbm>> -> memref<1x125x80xi32, #tpu.memory_space<hbm>>
      %dma_start3A_107 = tpu.memref_squeeze %dma_start3A_106 : memref<1x125x80xi32, #tpu.memory_space<hbm>> -> memref<125x80xi32, #tpu.memory_space<hbm>>
      %dma_start3A_108 = arith.constant 0 : i32
      %dma_start3A_109 = arith.constant 0 : i32
      %dma_start3A_110 = tpu.memref_slice %arg4[%add3A, %dma_start3A_108, %dma_start3A_109] : memref<32x125x80xi32, #tpu.memory_space<hbm>> -> memref<1x125x80xi32, #tpu.memory_space<hbm>>
      %dma_start3A_111 = tpu.memref_squeeze %dma_start3A_110 : memref<1x125x80xi32, #tpu.memory_space<hbm>> -> memref<125x80xi32, #tpu.memory_space<hbm>>
      tpu.enqueue_dma source(%dma_start3A_111 : memref<125x80xi32, #tpu.memory_space<hbm>>) target(%arg8 : memref<125x80xi32, #tpu.memory_space<vmem>>) target_semaphore(%run_scoped3A : memref<!tpu.dma_semaphore, #tpu.memory_space<semaphore_mem>>)
      %dma_wait3A_112 = arith.constant 0 : i32
      %dma_wait3A_113 = arith.constant 0 : i32
      %dma_wait3A_114 = tpu.memref_slice %arg4[%add3A, %dma_wait3A_112, %dma_wait3A_113] : memref<32x125x80xi32, #tpu.memory_space<hbm>> -> memref<1x125x80xi32, #tpu.memory_space<hbm>>
      %dma_wait3A_115 = tpu.memref_squeeze %dma_wait3A_114 : memref<1x125x80xi32, #tpu.memory_space<hbm>> -> memref<125x80xi32, #tpu.memory_space<hbm>>
      %dma_wait3A_116 = arith.constant 0 : i32
      %dma_wait3A_117 = arith.constant 0 : i32
      %dma_wait3A_118 = tpu.memref_slice %arg4[%add3A, %dma_wait3A_116, %dma_wait3A_117] : memref<32x125x80xi32, #tpu.memory_space<hbm>> -> memref<1x125x80xi32, #tpu.memory_space<hbm>>
      %dma_wait3A_119 = tpu.memref_squeeze %dma_wait3A_118 : memref<1x125x80xi32, #tpu.memory_space<hbm>> -> memref<125x80xi32, #tpu.memory_space<hbm>>
      tpu.wait_dma2 semaphore(%run_scoped3A : memref<!tpu.dma_semaphore, #tpu.memory_space<semaphore_mem>>) src(%dma_wait3A_119 : memref<125x80xi32, #tpu.memory_space<hbm>>) dst(%arg8 : memref<125x80xi32, #tpu.memory_space<vmem>>)
      tpu.yield
    }) : () -> ()
    "tpu.region"() ({
      %run_scoped3A = tpu.sem_alloc : memref<!tpu.dma_semaphore, #tpu.memory_space<semaphore_mem>>
      %dma_start3A_104 = arith.constant 0 : i32
      %dma_start3A_105 = arith.constant 0 : i32
      %dma_start3A_106 = tpu.memref_slice %arg5[%add3A, %dma_start3A_104, %dma_start3A_105] : memref<32x125x80xi32, #tpu.memory_space<hbm>> -> memref<1x125x80xi32, #tpu.memory_space<hbm>>
      %dma_start3A_107 = tpu.memref_squeeze %dma_start3A_106 : memref<1x125x80xi32, #tpu.memory_space<hbm>> -> memref<125x80xi32, #tpu.memory_space<hbm>>
      %dma_start3A_108 = arith.constant 0 : i32
      %dma_start3A_109 = arith.constant 0 : i32
      %dma_start3A_110 = tpu.memref_slice %arg5[%add3A, %dma_start3A_108, %dma_start3A_109] : memref<32x125x80xi32, #tpu.memory_space<hbm>> -> memref<1x125x80xi32, #tpu.memory_space<hbm>>
      %dma_start3A_111 = tpu.memref_squeeze %dma_start3A_110 : memref<1x125x80xi32, #tpu.memory_space<hbm>> -> memref<125x80xi32, #tpu.memory_space<hbm>>
      tpu.enqueue_dma source(%dma_start3A_111 : memref<125x80xi32, #tpu.memory_space<hbm>>) target(%arg9 : memref<125x80xi32, #tpu.memory_space<vmem>>) target_semaphore(%run_scoped3A : memref<!tpu.dma_semaphore, #tpu.memory_space<semaphore_mem>>)
      %dma_wait3A_112 = arith.constant 0 : i32
      %dma_wait3A_113 = arith.constant 0 : i32
      %dma_wait3A_114 = tpu.memref_slice %arg5[%add3A, %dma_wait3A_112, %dma_wait3A_113] : memref<32x125x80xi32, #tpu.memory_space<hbm>> -> memref<1x125x80xi32, #tpu.memory_space<hbm>>
      %dma_wait3A_115 = tpu.memref_squeeze %dma_wait3A_114 : memref<1x125x80xi32, #tpu.memory_space<hbm>> -> memref<125x80xi32, #tpu.memory_space<hbm>>
      %dma_wait3A_116 = arith.constant 0 : i32
      %dma_wait3A_117 = arith.constant 0 : i32
      %dma_wait3A_118 = tpu.memref_slice %arg5[%add3A, %dma_wait3A_116, %dma_wait3A_117] : memref<32x125x80xi32, #tpu.memory_space<hbm>> -> memref<1x125x80xi32, #tpu.memory_space<hbm>>
      %dma_wait3A_119 = tpu.memref_squeeze %dma_wait3A_118 : memref<1x125x80xi32, #tpu.memory_space<hbm>> -> memref<125x80xi32, #tpu.memory_space<hbm>>
      tpu.wait_dma2 semaphore(%run_scoped3A : memref<!tpu.dma_semaphore, #tpu.memory_space<semaphore_mem>>) src(%dma_wait3A_119 : memref<125x80xi32, #tpu.memory_space<hbm>>) dst(%arg9 : memref<125x80xi32, #tpu.memory_space<vmem>>)
      tpu.yield
    }) : () -> ()
    %dma_start3A = arith.constant 0 : i32
    %dma_start3A_3 = arith.constant 0 : i32
    %dma_start3A_4 = arith.constant 0 : i32
    %dma_start3A_5 = arith.constant 0 : i32
    %dma_start3A_6 = arith.constant 0 : i32
    %dma_start3A_7 = tpu.memref_slice %arg10[%dma_start3A_3, %dma_start3A_5, %dma_start3A_6] : memref<2x80x128xi32, #tpu.memory_space<vmem>> -> memref<1x80x128xi32, #tpu.memory_space<vmem>>
    %dma_start3A_8 = tpu.memref_squeeze %dma_start3A_7 : memref<1x80x128xi32, #tpu.memory_space<vmem>> -> memref<80x128xi32, #tpu.memory_space<vmem>>
    %dma_start3A_9 = arith.constant 0 : i32
    %dma_start3A_10 = tpu.memref_slice %arg8[%dma_start3A, %dma_start3A_9] : memref<125x80xi32, #tpu.memory_space<vmem>> -> memref<1x80xi32, #tpu.memory_space<vmem>>
    %dma_start3A_11 = tpu.memref_squeeze %dma_start3A_10 : memref<1x80xi32, #tpu.memory_space<vmem>> -> memref<80xi32, #tpu.memory_space<vmem>>
    %dma_start3A_12 = arith.constant 0 : i32
    %dma_start3A_13 = arith.constant 0 : i32
    %dma_start3A_14 = tpu.memref_slice %arg2[%dma_start3A_12, %dma_start3A_13] : memref<10000x128xi32, #tpu.memory_space<hbm>> -> memref<10000x128xi32, #tpu.memory_space<hbm>>
    %dma_start3A_15 = tpu.memref_slice %arg12[%dma_start3A_4] : memref<2x!tpu.dma_semaphore, #tpu.memory_space<semaphore_mem>> -> memref<1x!tpu.dma_semaphore, #tpu.memory_space<semaphore_mem>>
    %dma_start3A_16 = tpu.memref_squeeze %dma_start3A_15 : memref<1x!tpu.dma_semaphore, #tpu.memory_space<semaphore_mem>> -> memref<!tpu.dma_semaphore, #tpu.memory_space<semaphore_mem>>
    tpu.enqueue_indirect_dma source(%dma_start3A_14 : memref<10000x128xi32, #tpu.memory_space<hbm>>) target(%dma_start3A_8 : memref<80x128xi32, #tpu.memory_space<vmem>>) offsets(%dma_start3A_11 : memref<80xi32, #tpu.memory_space<vmem>>) semaphore(%dma_start3A_16 : memref<!tpu.dma_semaphore, #tpu.memory_space<semaphore_mem>>)
    %dma_start3A_17 = arith.constant 0 : i32
    %dma_start3A_18 = arith.constant 0 : i32
    %dma_start3A_19 = arith.constant 0 : i32
    %dma_start3A_20 = arith.constant 0 : i32
    %dma_start3A_21 = arith.constant 0 : i32
    %dma_start3A_22 = tpu.memref_slice %arg11[%dma_start3A_18, %dma_start3A_20, %dma_start3A_21] : memref<2x80x128xi32, #tpu.memory_space<vmem>> -> memref<1x80x128xi32, #tpu.memory_space<vmem>>
    %dma_start3A_23 = tpu.memref_squeeze %dma_start3A_22 : memref<1x80x128xi32, #tpu.memory_space<vmem>> -> memref<80x128xi32, #tpu.memory_space<vmem>>
    %dma_start3A_24 = arith.constant 0 : i32
    %dma_start3A_25 = tpu.memref_slice %arg9[%dma_start3A_17, %dma_start3A_24] : memref<125x80xi32, #tpu.memory_space<vmem>> -> memref<1x80xi32, #tpu.memory_space<vmem>>
    %dma_start3A_26 = tpu.memref_squeeze %dma_start3A_25 : memref<1x80xi32, #tpu.memory_space<vmem>> -> memref<80xi32, #tpu.memory_space<vmem>>
    %dma_start3A_27 = arith.constant 0 : i32
    %dma_start3A_28 = arith.constant 0 : i32
    %dma_start3A_29 = tpu.memref_slice %arg3[%dma_start3A_27, %dma_start3A_28] : memref<10000x128xi32, #tpu.memory_space<hbm>> -> memref<10000x128xi32, #tpu.memory_space<hbm>>
    %dma_start3A_30 = tpu.memref_slice %arg12[%dma_start3A_19] : memref<2x!tpu.dma_semaphore, #tpu.memory_space<semaphore_mem>> -> memref<1x!tpu.dma_semaphore, #tpu.memory_space<semaphore_mem>>
    %dma_start3A_31 = tpu.memref_squeeze %dma_start3A_30 : memref<1x!tpu.dma_semaphore, #tpu.memory_space<semaphore_mem>> -> memref<!tpu.dma_semaphore, #tpu.memory_space<semaphore_mem>>
    tpu.enqueue_indirect_dma source(%dma_start3A_29 : memref<10000x128xi32, #tpu.memory_space<hbm>>) target(%dma_start3A_23 : memref<80x128xi32, #tpu.memory_space<vmem>>) offsets(%dma_start3A_26 : memref<80xi32, #tpu.memory_space<vmem>>) semaphore(%dma_start3A_31 : memref<!tpu.dma_semaphore, #tpu.memory_space<semaphore_mem>>)
    %scan3A = arith.constant 0 : i32
    %scan3A_32 = arith.constant 0 : i32
    %scan3A_33 = arith.constant 125 : i32
    %scan3A_34 = arith.addi %scan3A_32, %scan3A_33 : i32
    %scan3A_35 = arith.constant 1 : i32
    scf.for %scan3A_104 = %scan3A_32 to %scan3A_34 step %scan3A_35  : i32 {
      %rem3A = arith.constant 2 : i32
      %rem3A_105 = arith.remsi %scan3A_104, %rem3A : i32
      %add3A_106 = arith.constant 1 : i32
      %add3A_107 = arith.addi %scan3A_104, %add3A_106 : i32
      %lt3A = arith.constant 125 : i32
      %lt3A_108 = arith.cmpi slt, %add3A_107, %lt3A : i32
      %convert_element_type3A = arith.extui %lt3A_108 : i1 to i32
      %cond3A = arith.constant 0 : i32
      %cond3A_109 = arith.cmpi ne, %convert_element_type3A, %cond3A : i32
      scf.if %cond3A_109 {
        %ge3A = arith.constant 1 : i32
        %ge3A_165 = arith.cmpi sge, %scan3A_104, %ge3A : i32
        %convert_element_type3A_166 = arith.extui %ge3A_165 : i1 to i32
        %cond3A_167 = arith.constant 0 : i32
        %cond3A_168 = arith.cmpi ne, %convert_element_type3A_166, %cond3A_167 : i32
        scf.if %cond3A_168 {
          %sub3A_196 = arith.constant 1 : i32
          %sub3A_197 = arith.subi %scan3A_104, %sub3A_196 : i32
          %sub3A_198 = arith.constant 1 : i32
          %sub3A_199 = arith.subi %sub3A_198, %rem3A_105 : i32
          %mul3A_200 = arith.constant 80 : i32
          %mul3A_201 = arith.muli %sub3A_197, %mul3A_200 : i32
          %add3A_202 = arith.addi %mul3A_2, %mul3A_201 : i32
          %dma_wait3A_203 = arith.constant 0 : i32
          %dma_wait3A_204 = arith.constant 0 : i32
          %dma_wait3A_205 = tpu.memref_slice %arg10[%sub3A_199, %dma_wait3A_203, %dma_wait3A_204] : memref<2x80x128xi32, #tpu.memory_space<vmem>> -> memref<1x80x128xi32, #tpu.memory_space<vmem>>
          %dma_wait3A_206 = tpu.memref_squeeze %dma_wait3A_205 : memref<1x80x128xi32, #tpu.memory_space<vmem>> -> memref<80x128xi32, #tpu.memory_space<vmem>>
          %dma_wait3A_207 = arith.constant 0 : i32
          %dma_wait3A_208 = tpu.memref_slice %arg6[%add3A_202, %dma_wait3A_207] : memref<320000x128xi32, #tpu.memory_space<hbm>> -> memref<80x128xi32, #tpu.memory_space<hbm>>
          %dma_wait3A_209 = tpu.memref_slice %arg13[%sub3A_199] : memref<2x!tpu.dma_semaphore, #tpu.memory_space<semaphore_mem>> -> memref<1x!tpu.dma_semaphore, #tpu.memory_space<semaphore_mem>>
          %dma_wait3A_210 = tpu.memref_squeeze %dma_wait3A_209 : memref<1x!tpu.dma_semaphore, #tpu.memory_space<semaphore_mem>> -> memref<!tpu.dma_semaphore, #tpu.memory_space<semaphore_mem>>
          %dma_wait3A_211 = arith.constant 0 : i32
          %dma_wait3A_212 = tpu.memref_slice %arg6[%add3A_202, %dma_wait3A_211] : memref<320000x128xi32, #tpu.memory_space<hbm>> -> memref<80x128xi32, #tpu.memory_space<hbm>>
          %dma_wait3A_213 = arith.constant 0 : i32
          %dma_wait3A_214 = arith.constant 0 : i32
          %dma_wait3A_215 = tpu.memref_slice %arg10[%sub3A_199, %dma_wait3A_213, %dma_wait3A_214] : memref<2x80x128xi32, #tpu.memory_space<vmem>> -> memref<1x80x128xi32, #tpu.memory_space<vmem>>
          %dma_wait3A_216 = tpu.memref_squeeze %dma_wait3A_215 : memref<1x80x128xi32, #tpu.memory_space<vmem>> -> memref<80x128xi32, #tpu.memory_space<vmem>>
          tpu.wait_dma2 semaphore(%dma_wait3A_210 : memref<!tpu.dma_semaphore, #tpu.memory_space<semaphore_mem>>) src(%dma_wait3A_216 : memref<80x128xi32, #tpu.memory_space<vmem>>) dst(%dma_wait3A_212 : memref<80x128xi32, #tpu.memory_space<hbm>>)
          %dma_wait3A_217 = arith.constant 0 : i32
          %dma_wait3A_218 = arith.constant 0 : i32
          %dma_wait3A_219 = tpu.memref_slice %arg11[%sub3A_199, %dma_wait3A_217, %dma_wait3A_218] : memref<2x80x128xi32, #tpu.memory_space<vmem>> -> memref<1x80x128xi32, #tpu.memory_space<vmem>>
          %dma_wait3A_220 = tpu.memref_squeeze %dma_wait3A_219 : memref<1x80x128xi32, #tpu.memory_space<vmem>> -> memref<80x128xi32, #tpu.memory_space<vmem>>
          %dma_wait3A_221 = arith.constant 0 : i32
          %dma_wait3A_222 = tpu.memref_slice %arg7[%add3A_202, %dma_wait3A_221] : memref<320000x128xi32, #tpu.memory_space<hbm>> -> memref<80x128xi32, #tpu.memory_space<hbm>>
          %dma_wait3A_223 = tpu.memref_slice %arg13[%sub3A_199] : memref<2x!tpu.dma_semaphore, #tpu.memory_space<semaphore_mem>> -> memref<1x!tpu.dma_semaphore, #tpu.memory_space<semaphore_mem>>
          %dma_wait3A_224 = tpu.memref_squeeze %dma_wait3A_223 : memref<1x!tpu.dma_semaphore, #tpu.memory_space<semaphore_mem>> -> memref<!tpu.dma_semaphore, #tpu.memory_space<semaphore_mem>>
          %dma_wait3A_225 = arith.constant 0 : i32
          %dma_wait3A_226 = tpu.memref_slice %arg7[%add3A_202, %dma_wait3A_225] : memref<320000x128xi32, #tpu.memory_space<hbm>> -> memref<80x128xi32, #tpu.memory_space<hbm>>
          %dma_wait3A_227 = arith.constant 0 : i32
          %dma_wait3A_228 = arith.constant 0 : i32
          %dma_wait3A_229 = tpu.memref_slice %arg11[%sub3A_199, %dma_wait3A_227, %dma_wait3A_228] : memref<2x80x128xi32, #tpu.memory_space<vmem>> -> memref<1x80x128xi32, #tpu.memory_space<vmem>>
          %dma_wait3A_230 = tpu.memref_squeeze %dma_wait3A_229 : memref<1x80x128xi32, #tpu.memory_space<vmem>> -> memref<80x128xi32, #tpu.memory_space<vmem>>
          tpu.wait_dma2 semaphore(%dma_wait3A_224 : memref<!tpu.dma_semaphore, #tpu.memory_space<semaphore_mem>>) src(%dma_wait3A_230 : memref<80x128xi32, #tpu.memory_space<vmem>>) dst(%dma_wait3A_226 : memref<80x128xi32, #tpu.memory_space<hbm>>)
        } else {
        }
        %add3A_169 = arith.constant 1 : i32
        %add3A_170 = arith.addi %scan3A_104, %add3A_169 : i32
        %sub3A = arith.constant 1 : i32
        %sub3A_171 = arith.subi %sub3A, %rem3A_105 : i32
        %dma_start3A_172 = arith.constant 0 : i32
        %dma_start3A_173 = arith.constant 0 : i32
        %dma_start3A_174 = tpu.memref_slice %arg10[%sub3A_171, %dma_start3A_172, %dma_start3A_173] : memref<2x80x128xi32, #tpu.memory_space<vmem>> -> memref<1x80x128xi32, #tpu.memory_space<vmem>>
        %dma_start3A_175 = tpu.memref_squeeze %dma_start3A_174 : memref<1x80x128xi32, #tpu.memory_space<vmem>> -> memref<80x128xi32, #tpu.memory_space<vmem>>
        %dma_start3A_176 = arith.constant 0 : i32
        %dma_start3A_177 = tpu.memref_slice %arg8[%add3A_170, %dma_start3A_176] : memref<125x80xi32, #tpu.memory_space<vmem>> -> memref<1x80xi32, #tpu.memory_space<vmem>>
        %dma_start3A_178 = tpu.memref_squeeze %dma_start3A_177 : memref<1x80xi32, #tpu.memory_space<vmem>> -> memref<80xi32, #tpu.memory_space<vmem>>
        %dma_start3A_179 = arith.constant 0 : i32
        %dma_start3A_180 = arith.constant 0 : i32
        %dma_start3A_181 = tpu.memref_slice %arg2[%dma_start3A_179, %dma_start3A_180] : memref<10000x128xi32, #tpu.memory_space<hbm>> -> memref<10000x128xi32, #tpu.memory_space<hbm>>
        %dma_start3A_182 = tpu.memref_slice %arg12[%sub3A_171] : memref<2x!tpu.dma_semaphore, #tpu.memory_space<semaphore_mem>> -> memref<1x!tpu.dma_semaphore, #tpu.memory_space<semaphore_mem>>
        %dma_start3A_183 = tpu.memref_squeeze %dma_start3A_182 : memref<1x!tpu.dma_semaphore, #tpu.memory_space<semaphore_mem>> -> memref<!tpu.dma_semaphore, #tpu.memory_space<semaphore_mem>>
        tpu.enqueue_indirect_dma source(%dma_start3A_181 : memref<10000x128xi32, #tpu.memory_space<hbm>>) target(%dma_start3A_175 : memref<80x128xi32, #tpu.memory_space<vmem>>) offsets(%dma_start3A_178 : memref<80xi32, #tpu.memory_space<vmem>>) semaphore(%dma_start3A_183 : memref<!tpu.dma_semaphore, #tpu.memory_space<semaphore_mem>>)
        %dma_start3A_184 = arith.constant 0 : i32
        %dma_start3A_185 = arith.constant 0 : i32
        %dma_start3A_186 = tpu.memref_slice %arg11[%sub3A_171, %dma_start3A_184, %dma_start3A_185] : memref<2x80x128xi32, #tpu.memory_space<vmem>> -> memref<1x80x128xi32, #tpu.memory_space<vmem>>
        %dma_start3A_187 = tpu.memref_squeeze %dma_start3A_186 : memref<1x80x128xi32, #tpu.memory_space<vmem>> -> memref<80x128xi32, #tpu.memory_space<vmem>>
        %dma_start3A_188 = arith.constant 0 : i32
        %dma_start3A_189 = tpu.memref_slice %arg9[%add3A_170, %dma_start3A_188] : memref<125x80xi32, #tpu.memory_space<vmem>> -> memref<1x80xi32, #tpu.memory_space<vmem>>
        %dma_start3A_190 = tpu.memref_squeeze %dma_start3A_189 : memref<1x80xi32, #tpu.memory_space<vmem>> -> memref<80xi32, #tpu.memory_space<vmem>>
        %dma_start3A_191 = arith.constant 0 : i32
        %dma_start3A_192 = arith.constant 0 : i32
        %dma_start3A_193 = tpu.memref_slice %arg3[%dma_start3A_191, %dma_start3A_192] : memref<10000x128xi32, #tpu.memory_space<hbm>> -> memref<10000x128xi32, #tpu.memory_space<hbm>>
        %dma_start3A_194 = tpu.memref_slice %arg12[%sub3A_171] : memref<2x!tpu.dma_semaphore, #tpu.memory_space<semaphore_mem>> -> memref<1x!tpu.dma_semaphore, #tpu.memory_space<semaphore_mem>>
        %dma_start3A_195 = tpu.memref_squeeze %dma_start3A_194 : memref<1x!tpu.dma_semaphore, #tpu.memory_space<semaphore_mem>> -> memref<!tpu.dma_semaphore, #tpu.memory_space<semaphore_mem>>
        tpu.enqueue_indirect_dma source(%dma_start3A_193 : memref<10000x128xi32, #tpu.memory_space<hbm>>) target(%dma_start3A_187 : memref<80x128xi32, #tpu.memory_space<vmem>>) offsets(%dma_start3A_190 : memref<80xi32, #tpu.memory_space<vmem>>) semaphore(%dma_start3A_195 : memref<!tpu.dma_semaphore, #tpu.memory_space<semaphore_mem>>)
      } else {
      }
      %dma_wait3A_110 = arith.constant 0 : i32
      %dma_wait3A_111 = arith.constant 0 : i32
      %dma_wait3A_112 = tpu.memref_slice %arg10[%rem3A_105, %dma_wait3A_110, %dma_wait3A_111] : memref<2x80x128xi32, #tpu.memory_space<vmem>> -> memref<1x80x128xi32, #tpu.memory_space<vmem>>
      %dma_wait3A_113 = tpu.memref_squeeze %dma_wait3A_112 : memref<1x80x128xi32, #tpu.memory_space<vmem>> -> memref<80x128xi32, #tpu.memory_space<vmem>>
      %dma_wait3A_114 = arith.constant 0 : i32
      %dma_wait3A_115 = tpu.memref_slice %arg8[%scan3A_104, %dma_wait3A_114] : memref<125x80xi32, #tpu.memory_space<vmem>> -> memref<1x80xi32, #tpu.memory_space<vmem>>
      %dma_wait3A_116 = tpu.memref_squeeze %dma_wait3A_115 : memref<1x80xi32, #tpu.memory_space<vmem>> -> memref<80xi32, #tpu.memory_space<vmem>>
      %dma_wait3A_117 = arith.constant 0 : i32
      %dma_wait3A_118 = arith.constant 0 : i32
      %dma_wait3A_119 = tpu.memref_slice %arg2[%dma_wait3A_117, %dma_wait3A_118] : memref<10000x128xi32, #tpu.memory_space<hbm>> -> memref<10000x128xi32, #tpu.memory_space<hbm>>
      %dma_wait3A_120 = tpu.memref_slice %arg12[%rem3A_105] : memref<2x!tpu.dma_semaphore, #tpu.memory_space<semaphore_mem>> -> memref<1x!tpu.dma_semaphore, #tpu.memory_space<semaphore_mem>>
      %dma_wait3A_121 = tpu.memref_squeeze %dma_wait3A_120 : memref<1x!tpu.dma_semaphore, #tpu.memory_space<semaphore_mem>> -> memref<!tpu.dma_semaphore, #tpu.memory_space<semaphore_mem>>
      tpu.wait_indirect_dma semaphore(%dma_wait3A_121 : memref<!tpu.dma_semaphore, #tpu.memory_space<semaphore_mem>>) src(%dma_wait3A_119 : memref<10000x128xi32, #tpu.memory_space<hbm>>) dst(%dma_wait3A_113 : memref<80x128xi32, #tpu.memory_space<vmem>>)
      %dma_wait3A_122 = arith.constant 0 : i32
      %dma_wait3A_123 = arith.constant 0 : i32
      %dma_wait3A_124 = tpu.memref_slice %arg11[%rem3A_105, %dma_wait3A_122, %dma_wait3A_123] : memref<2x80x128xi32, #tpu.memory_space<vmem>> -> memref<1x80x128xi32, #tpu.memory_space<vmem>>
      %dma_wait3A_125 = tpu.memref_squeeze %dma_wait3A_124 : memref<1x80x128xi32, #tpu.memory_space<vmem>> -> memref<80x128xi32, #tpu.memory_space<vmem>>
      %dma_wait3A_126 = arith.constant 0 : i32
      %dma_wait3A_127 = tpu.memref_slice %arg9[%scan3A_104, %dma_wait3A_126] : memref<125x80xi32, #tpu.memory_space<vmem>> -> memref<1x80xi32, #tpu.memory_space<vmem>>
      %dma_wait3A_128 = tpu.memref_squeeze %dma_wait3A_127 : memref<1x80xi32, #tpu.memory_space<vmem>> -> memref<80xi32, #tpu.memory_space<vmem>>
      %dma_wait3A_129 = arith.constant 0 : i32
      %dma_wait3A_130 = arith.constant 0 : i32
      %dma_wait3A_131 = tpu.memref_slice %arg3[%dma_wait3A_129, %dma_wait3A_130] : memref<10000x128xi32, #tpu.memory_space<hbm>> -> memref<10000x128xi32, #tpu.memory_space<hbm>>
      %dma_wait3A_132 = tpu.memref_slice %arg12[%rem3A_105] : memref<2x!tpu.dma_semaphore, #tpu.memory_space<semaphore_mem>> -> memref<1x!tpu.dma_semaphore, #tpu.memory_space<semaphore_mem>>
      %dma_wait3A_133 = tpu.memref_squeeze %dma_wait3A_132 : memref<1x!tpu.dma_semaphore, #tpu.memory_space<semaphore_mem>> -> memref<!tpu.dma_semaphore, #tpu.memory_space<semaphore_mem>>
      tpu.wait_indirect_dma semaphore(%dma_wait3A_133 : memref<!tpu.dma_semaphore, #tpu.memory_space<semaphore_mem>>) src(%dma_wait3A_131 : memref<10000x128xi32, #tpu.memory_space<hbm>>) dst(%dma_wait3A_125 : memref<80x128xi32, #tpu.memory_space<vmem>>)
      %mul3A_134 = arith.constant 80 : i32
      %mul3A_135 = arith.muli %scan3A_104, %mul3A_134 : i32
      %add3A_136 = arith.addi %mul3A_2, %mul3A_135 : i32
      %dma_start3A_137 = arith.constant 0 : i32
      %dma_start3A_138 = arith.constant 0 : i32
      %dma_start3A_139 = tpu.memref_slice %arg10[%rem3A_105, %dma_start3A_137, %dma_start3A_138] : memref<2x80x128xi32, #tpu.memory_space<vmem>> -> memref<1x80x128xi32, #tpu.memory_space<vmem>>
      %dma_start3A_140 = tpu.memref_squeeze %dma_start3A_139 : memref<1x80x128xi32, #tpu.memory_space<vmem>> -> memref<80x128xi32, #tpu.memory_space<vmem>>
      %dma_start3A_141 = arith.constant 0 : i32
      %dma_start3A_142 = tpu.memref_slice %arg6[%add3A_136, %dma_start3A_141] : memref<320000x128xi32, #tpu.memory_space<hbm>> -> memref<80x128xi32, #tpu.memory_space<hbm>>
      %dma_start3A_143 = tpu.memref_slice %arg13[%rem3A_105] : memref<2x!tpu.dma_semaphore, #tpu.memory_space<semaphore_mem>> -> memref<1x!tpu.dma_semaphore, #tpu.memory_space<semaphore_mem>>
      %dma_start3A_144 = tpu.memref_squeeze %dma_start3A_143 : memref<1x!tpu.dma_semaphore, #tpu.memory_space<semaphore_mem>> -> memref<!tpu.dma_semaphore, #tpu.memory_space<semaphore_mem>>
      %dma_start3A_145 = arith.constant 0 : i32
      %dma_start3A_146 = tpu.memref_slice %arg6[%add3A_136, %dma_start3A_145] : memref<320000x128xi32, #tpu.memory_space<hbm>> -> memref<80x128xi32, #tpu.memory_space<hbm>>
      %dma_start3A_147 = arith.constant 0 : i32
      %dma_start3A_148 = arith.constant 0 : i32
      %dma_start3A_149 = tpu.memref_slice %arg10[%rem3A_105, %dma_start3A_147, %dma_start3A_148] : memref<2x80x128xi32, #tpu.memory_space<vmem>> -> memref<1x80x128xi32, #tpu.memory_space<vmem>>
      %dma_start3A_150 = tpu.memref_squeeze %dma_start3A_149 : memref<1x80x128xi32, #tpu.memory_space<vmem>> -> memref<80x128xi32, #tpu.memory_space<vmem>>
      tpu.enqueue_dma source(%dma_start3A_150 : memref<80x128xi32, #tpu.memory_space<vmem>>) target(%dma_start3A_146 : memref<80x128xi32, #tpu.memory_space<hbm>>) target_semaphore(%dma_start3A_144 : memref<!tpu.dma_semaphore, #tpu.memory_space<semaphore_mem>>)
      %dma_start3A_151 = arith.constant 0 : i32
      %dma_start3A_152 = arith.constant 0 : i32
      %dma_start3A_153 = tpu.memref_slice %arg11[%rem3A_105, %dma_start3A_151, %dma_start3A_152] : memref<2x80x128xi32, #tpu.memory_space<vmem>> -> memref<1x80x128xi32, #tpu.memory_space<vmem>>
      %dma_start3A_154 = tpu.memref_squeeze %dma_start3A_153 : memref<1x80x128xi32, #tpu.memory_space<vmem>> -> memref<80x128xi32, #tpu.memory_space<vmem>>
      %dma_start3A_155 = arith.constant 0 : i32
      %dma_start3A_156 = tpu.memref_slice %arg7[%add3A_136, %dma_start3A_155] : memref<320000x128xi32, #tpu.memory_space<hbm>> -> memref<80x128xi32, #tpu.memory_space<hbm>>
      %dma_start3A_157 = tpu.memref_slice %arg13[%rem3A_105] : memref<2x!tpu.dma_semaphore, #tpu.memory_space<semaphore_mem>> -> memref<1x!tpu.dma_semaphore, #tpu.memory_space<semaphore_mem>>
      %dma_start3A_158 = tpu.memref_squeeze %dma_start3A_157 : memref<1x!tpu.dma_semaphore, #tpu.memory_space<semaphore_mem>> -> memref<!tpu.dma_semaphore, #tpu.memory_space<semaphore_mem>>
      %dma_start3A_159 = arith.constant 0 : i32
      %dma_start3A_160 = tpu.memref_slice %arg7[%add3A_136, %dma_start3A_159] : memref<320000x128xi32, #tpu.memory_space<hbm>> -> memref<80x128xi32, #tpu.memory_space<hbm>>
      %dma_start3A_161 = arith.constant 0 : i32
      %dma_start3A_162 = arith.constant 0 : i32
      %dma_start3A_163 = tpu.memref_slice %arg11[%rem3A_105, %dma_start3A_161, %dma_start3A_162] : memref<2x80x128xi32, #tpu.memory_space<vmem>> -> memref<1x80x128xi32, #tpu.memory_space<vmem>>
      %dma_start3A_164 = tpu.memref_squeeze %dma_start3A_163 : memref<1x80x128xi32, #tpu.memory_space<vmem>> -> memref<80x128xi32, #tpu.memory_space<vmem>>
      tpu.enqueue_dma source(%dma_start3A_164 : memref<80x128xi32, #tpu.memory_space<vmem>>) target(%dma_start3A_160 : memref<80x128xi32, #tpu.memory_space<hbm>>) target_semaphore(%dma_start3A_158 : memref<!tpu.dma_semaphore, #tpu.memory_space<semaphore_mem>>)
    }
    %scan3A_36 = arith.constant 125 : i32
    %add3A_37 = arith.constant 9840 : i32
    %add3A_38 = arith.addi %mul3A_2, %add3A_37 : i32
    %dma_wait3A = arith.constant 1 : i32
    %dma_wait3A_39 = arith.constant 1 : i32
    %dma_wait3A_40 = arith.constant 0 : i32
    %dma_wait3A_41 = arith.constant 0 : i32
    %dma_wait3A_42 = tpu.memref_slice %arg10[%dma_wait3A, %dma_wait3A_40, %dma_wait3A_41] : memref<2x80x128xi32, #tpu.memory_space<vmem>> -> memref<1x80x128xi32, #tpu.memory_space<vmem>>
    %dma_wait3A_43 = tpu.memref_squeeze %dma_wait3A_42 : memref<1x80x128xi32, #tpu.memory_space<vmem>> -> memref<80x128xi32, #tpu.memory_space<vmem>>
    %dma_wait3A_44 = arith.constant 0 : i32
    %dma_wait3A_45 = tpu.memref_slice %arg6[%add3A_38, %dma_wait3A_44] : memref<320000x128xi32, #tpu.memory_space<hbm>> -> memref<80x128xi32, #tpu.memory_space<hbm>>
    %dma_wait3A_46 = tpu.memref_slice %arg13[%dma_wait3A_39] : memref<2x!tpu.dma_semaphore, #tpu.memory_space<semaphore_mem>> -> memref<1x!tpu.dma_semaphore, #tpu.memory_space<semaphore_mem>>
    %dma_wait3A_47 = tpu.memref_squeeze %dma_wait3A_46 : memref<1x!tpu.dma_semaphore, #tpu.memory_space<semaphore_mem>> -> memref<!tpu.dma_semaphore, #tpu.memory_space<semaphore_mem>>
    %dma_wait3A_48 = arith.constant 0 : i32
    %dma_wait3A_49 = tpu.memref_slice %arg6[%add3A_38, %dma_wait3A_48] : memref<320000x128xi32, #tpu.memory_space<hbm>> -> memref<80x128xi32, #tpu.memory_space<hbm>>
    %dma_wait3A_50 = arith.constant 0 : i32
    %dma_wait3A_51 = arith.constant 0 : i32
    %dma_wait3A_52 = tpu.memref_slice %arg10[%dma_wait3A, %dma_wait3A_50, %dma_wait3A_51] : memref<2x80x128xi32, #tpu.memory_space<vmem>> -> memref<1x80x128xi32, #tpu.memory_space<vmem>>
    %dma_wait3A_53 = tpu.memref_squeeze %dma_wait3A_52 : memref<1x80x128xi32, #tpu.memory_space<vmem>> -> memref<80x128xi32, #tpu.memory_space<vmem>>
    tpu.wait_dma2 semaphore(%dma_wait3A_47 : memref<!tpu.dma_semaphore, #tpu.memory_space<semaphore_mem>>) src(%dma_wait3A_53 : memref<80x128xi32, #tpu.memory_space<vmem>>) dst(%dma_wait3A_49 : memref<80x128xi32, #tpu.memory_space<hbm>>)
    %dma_wait3A_54 = arith.constant 1 : i32
    %dma_wait3A_55 = arith.constant 1 : i32
    %dma_wait3A_56 = arith.constant 0 : i32
    %dma_wait3A_57 = arith.constant 0 : i32
    %dma_wait3A_58 = tpu.memref_slice %arg11[%dma_wait3A_54, %dma_wait3A_56, %dma_wait3A_57] : memref<2x80x128xi32, #tpu.memory_space<vmem>> -> memref<1x80x128xi32, #tpu.memory_space<vmem>>
    %dma_wait3A_59 = tpu.memref_squeeze %dma_wait3A_58 : memref<1x80x128xi32, #tpu.memory_space<vmem>> -> memref<80x128xi32, #tpu.memory_space<vmem>>
    %dma_wait3A_60 = arith.constant 0 : i32
    %dma_wait3A_61 = tpu.memref_slice %arg7[%add3A_38, %dma_wait3A_60] : memref<320000x128xi32, #tpu.memory_space<hbm>> -> memref<80x128xi32, #tpu.memory_space<hbm>>
    %dma_wait3A_62 = tpu.memref_slice %arg13[%dma_wait3A_55] : memref<2x!tpu.dma_semaphore, #tpu.memory_space<semaphore_mem>> -> memref<1x!tpu.dma_semaphore, #tpu.memory_space<semaphore_mem>>
    %dma_wait3A_63 = tpu.memref_squeeze %dma_wait3A_62 : memref<1x!tpu.dma_semaphore, #tpu.memory_space<semaphore_mem>> -> memref<!tpu.dma_semaphore, #tpu.memory_space<semaphore_mem>>
    %dma_wait3A_64 = arith.constant 0 : i32
    %dma_wait3A_65 = tpu.memref_slice %arg7[%add3A_38, %dma_wait3A_64] : memref<320000x128xi32, #tpu.memory_space<hbm>> -> memref<80x128xi32, #tpu.memory_space<hbm>>
    %dma_wait3A_66 = arith.constant 0 : i32
    %dma_wait3A_67 = arith.constant 0 : i32
    %dma_wait3A_68 = tpu.memref_slice %arg11[%dma_wait3A_54, %dma_wait3A_66, %dma_wait3A_67] : memref<2x80x128xi32, #tpu.memory_space<vmem>> -> memref<1x80x128xi32, #tpu.memory_space<vmem>>
    %dma_wait3A_69 = tpu.memref_squeeze %dma_wait3A_68 : memref<1x80x128xi32, #tpu.memory_space<vmem>> -> memref<80x128xi32, #tpu.memory_space<vmem>>
    tpu.wait_dma2 semaphore(%dma_wait3A_63 : memref<!tpu.dma_semaphore, #tpu.memory_space<semaphore_mem>>) src(%dma_wait3A_69 : memref<80x128xi32, #tpu.memory_space<vmem>>) dst(%dma_wait3A_65 : memref<80x128xi32, #tpu.memory_space<hbm>>)
    %add3A_70 = arith.constant 9920 : i32
    %add3A_71 = arith.addi %mul3A_2, %add3A_70 : i32
    %dma_wait3A_72 = arith.constant 0 : i32
    %dma_wait3A_73 = arith.constant 0 : i32
    %dma_wait3A_74 = arith.constant 0 : i32
    %dma_wait3A_75 = arith.constant 0 : i32
    %dma_wait3A_76 = tpu.memref_slice %arg10[%dma_wait3A_72, %dma_wait3A_74, %dma_wait3A_75] : memref<2x80x128xi32, #tpu.memory_space<vmem>> -> memref<1x80x128xi32, #tpu.memory_space<vmem>>
    %dma_wait3A_77 = tpu.memref_squeeze %dma_wait3A_76 : memref<1x80x128xi32, #tpu.memory_space<vmem>> -> memref<80x128xi32, #tpu.memory_space<vmem>>
    %dma_wait3A_78 = arith.constant 0 : i32
    %dma_wait3A_79 = tpu.memref_slice %arg6[%add3A_71, %dma_wait3A_78] : memref<320000x128xi32, #tpu.memory_space<hbm>> -> memref<80x128xi32, #tpu.memory_space<hbm>>
    %dma_wait3A_80 = tpu.memref_slice %arg13[%dma_wait3A_73] : memref<2x!tpu.dma_semaphore, #tpu.memory_space<semaphore_mem>> -> memref<1x!tpu.dma_semaphore, #tpu.memory_space<semaphore_mem>>
    %dma_wait3A_81 = tpu.memref_squeeze %dma_wait3A_80 : memref<1x!tpu.dma_semaphore, #tpu.memory_space<semaphore_mem>> -> memref<!tpu.dma_semaphore, #tpu.memory_space<semaphore_mem>>
    %dma_wait3A_82 = arith.constant 0 : i32
    %dma_wait3A_83 = tpu.memref_slice %arg6[%add3A_71, %dma_wait3A_82] : memref<320000x128xi32, #tpu.memory_space<hbm>> -> memref<80x128xi32, #tpu.memory_space<hbm>>
    %dma_wait3A_84 = arith.constant 0 : i32
    %dma_wait3A_85 = arith.constant 0 : i32
    %dma_wait3A_86 = tpu.memref_slice %arg10[%dma_wait3A_72, %dma_wait3A_84, %dma_wait3A_85] : memref<2x80x128xi32, #tpu.memory_space<vmem>> -> memref<1x80x128xi32, #tpu.memory_space<vmem>>
    %dma_wait3A_87 = tpu.memref_squeeze %dma_wait3A_86 : memref<1x80x128xi32, #tpu.memory_space<vmem>> -> memref<80x128xi32, #tpu.memory_space<vmem>>
    tpu.wait_dma2 semaphore(%dma_wait3A_81 : memref<!tpu.dma_semaphore, #tpu.memory_space<semaphore_mem>>) src(%dma_wait3A_87 : memref<80x128xi32, #tpu.memory_space<vmem>>) dst(%dma_wait3A_83 : memref<80x128xi32, #tpu.memory_space<hbm>>)
    %dma_wait3A_88 = arith.constant 0 : i32
    %dma_wait3A_89 = arith.constant 0 : i32
    %dma_wait3A_90 = arith.constant 0 : i32
    %dma_wait3A_91 = arith.constant 0 : i32
    %dma_wait3A_92 = tpu.memref_slice %arg11[%dma_wait3A_88, %dma_wait3A_90, %dma_wait3A_91] : memref<2x80x128xi32, #tpu.memory_space<vmem>> -> memref<1x80x128xi32, #tpu.memory_space<vmem>>
    %dma_wait3A_93 = tpu.memref_squeeze %dma_wait3A_92 : memref<1x80x128xi32, #tpu.memory_space<vmem>> -> memref<80x128xi32, #tpu.memory_space<vmem>>
    %dma_wait3A_94 = arith.constant 0 : i32
    %dma_wait3A_95 = tpu.memref_slice %arg7[%add3A_71, %dma_wait3A_94] : memref<320000x128xi32, #tpu.memory_space<hbm>> -> memref<80x128xi32, #tpu.memory_space<hbm>>
    %dma_wait3A_96 = tpu.memref_slice %arg13[%dma_wait3A_89] : memref<2x!tpu.dma_semaphore, #tpu.memory_space<semaphore_mem>> -> memref<1x!tpu.dma_semaphore, #tpu.memory_space<semaphore_mem>>
    %dma_wait3A_97 = tpu.memref_squeeze %dma_wait3A_96 : memref<1x!tpu.dma_semaphore, #tpu.memory_space<semaphore_mem>> -> memref<!tpu.dma_semaphore, #tpu.memory_space<semaphore_mem>>
    %dma_wait3A_98 = arith.constant 0 : i32
    %dma_wait3A_99 = tpu.memref_slice %arg7[%add3A_71, %dma_wait3A_98] : memref<320000x128xi32, #tpu.memory_space<hbm>> -> memref<80x128xi32, #tpu.memory_space<hbm>>
    %dma_wait3A_100 = arith.constant 0 : i32
    %dma_wait3A_101 = arith.constant 0 : i32
    %dma_wait3A_102 = tpu.memref_slice %arg11[%dma_wait3A_88, %dma_wait3A_100, %dma_wait3A_101] : memref<2x80x128xi32, #tpu.memory_space<vmem>> -> memref<1x80x128xi32, #tpu.memory_space<vmem>>
    %dma_wait3A_103 = tpu.memref_squeeze %dma_wait3A_102 : memref<1x80x128xi32, #tpu.memory_space<vmem>> -> memref<80x128xi32, #tpu.memory_space<vmem>>
    tpu.wait_dma2 semaphore(%dma_wait3A_97 : memref<!tpu.dma_semaphore, #tpu.memory_space<semaphore_mem>>) src(%dma_wait3A_103 : memref<80x128xi32, #tpu.memory_space<vmem>>) dst(%dma_wait3A_99 : memref<80x128xi32, #tpu.memory_space<hbm>>)
    return
  }
}

module attributes {stable_mosaic.version = 14 : i64} {
  func.func @_node_tables_body(%arg0: i32, %arg1: memref<1000x10xf32, #tpu.memory_space<vmem>>, %arg2: memref<1000x128xf32, #tpu.memory_space<vmem>>, %arg3: memref<10x128xf32, #tpu.memory_space<vmem>>, %arg4: memref<10x128xf32, #tpu.memory_space<vmem>>, %arg5: memref<128x128xf32, #tpu.memory_space<vmem>>, %arg6: memref<128x128xf32, #tpu.memory_space<vmem>>, %arg7: memref<128x128xf32, #tpu.memory_space<vmem>>, %arg8: memref<1000x128xi32, #tpu.memory_space<vmem>>, %arg9: memref<1000x128xi32, #tpu.memory_space<vmem>>, %arg10: memref<1000x128xf32, #tpu.memory_space<vmem>>, %arg11: memref<1000x128xf32, #tpu.memory_space<vmem>>) attributes {dimension_semantics = [#tpu.dimension_semantics<parallel>], iteration_bounds = array<i64: 10>, scalar_prefetch = 0 : i64, scratch_operands = 0 : i64, tpu.core_type = #tpu.core_type<tc>, window_params = [{transform_indices = @transform_0, window_bounds = array<i64: 1000, 10>}, {transform_indices = @transform_1, window_bounds = array<i64: 1000, 128>}, {pipeline_mode = #tpu.pipeline_mode<synchronous>, transform_indices = @transform_2, window_bounds = array<i64: 10, 128>}, {pipeline_mode = #tpu.pipeline_mode<synchronous>, transform_indices = @transform_3, window_bounds = array<i64: 10, 128>}, {pipeline_mode = #tpu.pipeline_mode<synchronous>, transform_indices = @transform_4, window_bounds = array<i64: 128, 128>}, {pipeline_mode = #tpu.pipeline_mode<synchronous>, transform_indices = @transform_5, window_bounds = array<i64: 128, 128>}, {pipeline_mode = #tpu.pipeline_mode<synchronous>, transform_indices = @transform_6, window_bounds = array<i64: 128, 128>}, {transform_indices = @transform_7, window_bounds = array<i64: 1000, 128>}, {transform_indices = @transform_8, window_bounds = array<i64: 1000, 128>}, {transform_indices = @transform_9, window_bounds = array<i64: 1000, 128>}, {transform_indices = @transform_10, window_bounds = array<i64: 1000, 128>}]} {
    %get3A = arith.constant 0 : index
    %get3A_0 = arith.constant 0 : index
    %get3A_1 = vector.load %arg1[%get3A, %get3A_0] : memref<1000x10xf32, #tpu.memory_space<vmem>>, vector<1000x10xf32>
    %get3A_2 = arith.constant 0 : index
    %get3A_3 = arith.constant 0 : index
    %get3A_4 = vector.load %arg2[%get3A_2, %get3A_3] : memref<1000x128xf32, #tpu.memory_space<vmem>>, vector<1000x128xf32>
    %get3A_5 = arith.constant 0 : index
    %get3A_6 = arith.constant 0 : index
    %get3A_7 = vector.load %arg3[%get3A_5, %get3A_6] : memref<10x128xf32, #tpu.memory_space<vmem>>, vector<10x128xf32>
    %dot_general3A = arith.constant dense<0.000000e+00> : vector<1000x128xf32>
    %dot_general3A_8 = tpu.matmul %get3A_1, %get3A_7, %dot_general3A {dimension_numbers = #tpu.dot_dimension_numbers<[1], [0], [0], [1], [0, 0, 1, 1], [], []>, transpose_lhs_hint = false} : vector<1000x10xf32>, vector<10x128xf32>, vector<1000x128xf32> -> vector<1000x128xf32>
    %get3A_9 = arith.constant 0 : index
    %get3A_10 = arith.constant 0 : index
    %get3A_11 = vector.load %arg5[%get3A_9, %get3A_10] : memref<128x128xf32, #tpu.memory_space<vmem>>, vector<128x128xf32>
    %dot_general3A_12 = arith.constant dense<0.000000e+00> : vector<1000x128xf32>
    %dot_general3A_13 = tpu.matmul %get3A_4, %get3A_11, %dot_general3A_12 {dimension_numbers = #tpu.dot_dimension_numbers<[1], [0], [0], [1], [0, 0, 1, 1], [], []>, transpose_lhs_hint = false} : vector<1000x128xf32>, vector<128x128xf32>, vector<1000x128xf32> -> vector<1000x128xf32>
    %bitcast_convert_type3A = tpu.bitcast %dot_general3A_8 : vector<1000x128xf32> -> vector<1000x128xi32>
    %bitcast_convert_type3A_14 = tpu.bitcast %dot_general3A_13 : vector<1000x128xf32> -> vector<1000x128xi32>
    %add3A = arith.constant 32767 : i32
    %add3A_15 = vector.broadcast %add3A : i32 to vector<1000x128xi32>
    %add3A_16 = arith.addi %bitcast_convert_type3A, %add3A_15 : vector<1000x128xi32>
    %shift_right_logical3A = arith.constant 16 : i32
    %shift_right_logical3A_17 = vector.broadcast %shift_right_logical3A : i32 to vector<1000x128xi32>
    %shift_right_logical3A_18 = arith.shrui %bitcast_convert_type3A, %shift_right_logical3A_17 : vector<1000x128xi32>
    %and3A = arith.constant 1 : i32
    %and3A_19 = vector.broadcast %and3A : i32 to vector<1000x128xi32>
    %and3A_20 = arith.andi %shift_right_logical3A_18, %and3A_19 : vector<1000x128xi32>
    %add3A_21 = arith.addi %add3A_16, %and3A_20 : vector<1000x128xi32>
    %add3A_22 = arith.constant 32767 : i32
    %add3A_23 = vector.broadcast %add3A_22 : i32 to vector<1000x128xi32>
    %add3A_24 = arith.addi %bitcast_convert_type3A_14, %add3A_23 : vector<1000x128xi32>
    %shift_right_logical3A_25 = arith.constant 16 : i32
    %shift_right_logical3A_26 = vector.broadcast %shift_right_logical3A_25 : i32 to vector<1000x128xi32>
    %shift_right_logical3A_27 = arith.shrui %bitcast_convert_type3A_14, %shift_right_logical3A_26 : vector<1000x128xi32>
    %and3A_28 = arith.constant 1 : i32
    %and3A_29 = vector.broadcast %and3A_28 : i32 to vector<1000x128xi32>
    %and3A_30 = arith.andi %shift_right_logical3A_27, %and3A_29 : vector<1000x128xi32>
    %add3A_31 = arith.addi %add3A_24, %and3A_30 : vector<1000x128xi32>
    %shift_right_logical3A_32 = arith.constant 16 : i32
    %shift_right_logical3A_33 = vector.broadcast %shift_right_logical3A_32 : i32 to vector<1000x128xi32>
    %shift_right_logical3A_34 = arith.shrui %add3A_21, %shift_right_logical3A_33 : vector<1000x128xi32>
    %and3A_35 = arith.constant -65536 : i32
    %and3A_36 = vector.broadcast %and3A_35 : i32 to vector<1000x128xi32>
    %and3A_37 = arith.andi %add3A_31, %and3A_36 : vector<1000x128xi32>
    %or3A = arith.ori %shift_right_logical3A_34, %and3A_37 : vector<1000x128xi32>
    %bitcast_convert_type3A_38 = tpu.bitcast %or3A : vector<1000x128xi32> -> vector<1000x128xi32>
    %swap3A = arith.constant 0 : index
    %swap3A_39 = arith.constant 0 : index
    %swap3A_40 = vector.load %arg8[%swap3A, %swap3A_39] : memref<1000x128xi32, #tpu.memory_space<vmem>>, vector<1000x128xi32>
    tpu.vector_store %arg8[%swap3A, %swap3A_39], %bitcast_convert_type3A_38 {strides = array<i32>} : memref<1000x128xi32, #tpu.memory_space<vmem>>, vector<1000x128xi32>,
    %get3A_41 = arith.constant 0 : index
    %get3A_42 = arith.constant 0 : index
    %get3A_43 = vector.load %arg4[%get3A_41, %get3A_42] : memref<10x128xf32, #tpu.memory_space<vmem>>, vector<10x128xf32>
    %dot_general3A_44 = arith.constant dense<0.000000e+00> : vector<1000x128xf32>
    %dot_general3A_45 = tpu.matmul %get3A_1, %get3A_43, %dot_general3A_44 {dimension_numbers = #tpu.dot_dimension_numbers<[1], [0], [0], [1], [0, 0, 1, 1], [], []>, transpose_lhs_hint = false} : vector<1000x10xf32>, vector<10x128xf32>, vector<1000x128xf32> -> vector<1000x128xf32>
    %slice3A = vector.extract_strided_slice %dot_general3A_45 {offsets = [0, 0], sizes = [1000, 64], strides = [1, 1]} : vector<1000x128xf32> to vector<1000x64xf32>
    %slice3A_46 = vector.extract_strided_slice %dot_general3A_45 {offsets = [0, 64], sizes = [1000, 64], strides = [1, 1]} : vector<1000x128xf32> to vector<1000x64xf32>
    %bitcast_convert_type3A_47 = tpu.bitcast %slice3A : vector<1000x64xf32> -> vector<1000x64xi32>
    %bitcast_convert_type3A_48 = tpu.bitcast %slice3A_46 : vector<1000x64xf32> -> vector<1000x64xi32>
    %add3A_49 = arith.constant 32767 : i32
    %add3A_50 = vector.broadcast %add3A_49 : i32 to vector<1000x64xi32>
    %add3A_51 = arith.addi %bitcast_convert_type3A_47, %add3A_50 : vector<1000x64xi32>
    %shift_right_logical3A_52 = arith.constant 16 : i32
    %shift_right_logical3A_53 = vector.broadcast %shift_right_logical3A_52 : i32 to vector<1000x64xi32>
    %shift_right_logical3A_54 = arith.shrui %bitcast_convert_type3A_47, %shift_right_logical3A_53 : vector<1000x64xi32>
    %and3A_55 = arith.constant 1 : i32
    %and3A_56 = vector.broadcast %and3A_55 : i32 to vector<1000x64xi32>
    %and3A_57 = arith.andi %shift_right_logical3A_54, %and3A_56 : vector<1000x64xi32>
    %add3A_58 = arith.addi %add3A_51, %and3A_57 : vector<1000x64xi32>
    %add3A_59 = arith.constant 32767 : i32
    %add3A_60 = vector.broadcast %add3A_59 : i32 to vector<1000x64xi32>
    %add3A_61 = arith.addi %bitcast_convert_type3A_48, %add3A_60 : vector<1000x64xi32>
    %shift_right_logical3A_62 = arith.constant 16 : i32
    %shift_right_logical3A_63 = vector.broadcast %shift_right_logical3A_62 : i32 to vector<1000x64xi32>
    %shift_right_logical3A_64 = arith.shrui %bitcast_convert_type3A_48, %shift_right_logical3A_63 : vector<1000x64xi32>
    %and3A_65 = arith.constant 1 : i32
    %and3A_66 = vector.broadcast %and3A_65 : i32 to vector<1000x64xi32>
    %and3A_67 = arith.andi %shift_right_logical3A_64, %and3A_66 : vector<1000x64xi32>
    %add3A_68 = arith.addi %add3A_61, %and3A_67 : vector<1000x64xi32>
    %shift_right_logical3A_69 = arith.constant 16 : i32
    %shift_right_logical3A_70 = vector.broadcast %shift_right_logical3A_69 : i32 to vector<1000x64xi32>
    %shift_right_logical3A_71 = arith.shrui %add3A_58, %shift_right_logical3A_70 : vector<1000x64xi32>
    %and3A_72 = arith.constant -65536 : i32
    %and3A_73 = vector.broadcast %and3A_72 : i32 to vector<1000x64xi32>
    %and3A_74 = arith.andi %add3A_68, %and3A_73 : vector<1000x64xi32>
    %or3A_75 = arith.ori %shift_right_logical3A_71, %and3A_74 : vector<1000x64xi32>
    %bitcast_convert_type3A_76 = tpu.bitcast %or3A_75 : vector<1000x64xi32> -> vector<1000x64xi32>
    %swap3A_77 = arith.constant 0 : index
    %swap3A_78 = arith.constant 0 : index
    %swap3A_79 = vector.load %arg9[%swap3A_77, %swap3A_78] : memref<1000x128xi32, #tpu.memory_space<vmem>>, vector<1000x64xi32>
    tpu.vector_store %arg9[%swap3A_77, %swap3A_78], %bitcast_convert_type3A_76 {strides = array<i32>} : memref<1000x128xi32, #tpu.memory_space<vmem>>, vector<1000x64xi32>,
    %broadcast_in_dim3A = arith.constant 0 : i32
    %broadcast_in_dim3A_80 = vector.broadcast %broadcast_in_dim3A : i32 to vector<1000x64xi32>
    %swap3A_81 = arith.constant 0 : index
    %swap3A_82 = arith.constant 64 : index
    %swap3A_83 = vector.load %arg9[%swap3A_81, %swap3A_82] : memref<1000x128xi32, #tpu.memory_space<vmem>>, vector<1000x64xi32>
    tpu.vector_store %arg9[%swap3A_81, %swap3A_82], %broadcast_in_dim3A_80 {strides = array<i32>} : memref<1000x128xi32, #tpu.memory_space<vmem>>, vector<1000x64xi32>,
    %get3A_84 = arith.constant 0 : index
    %get3A_85 = arith.constant 0 : index
    %get3A_86 = vector.load %arg6[%get3A_84, %get3A_85] : memref<128x128xf32, #tpu.memory_space<vmem>>, vector<128x128xf32>
    %dot_general3A_87 = arith.constant dense<0.000000e+00> : vector<1000x128xf32>
    %dot_general3A_88 = tpu.matmul %get3A_4, %get3A_86, %dot_general3A_87 {dimension_numbers = #tpu.dot_dimension_numbers<[1], [0], [0], [1], [0, 0, 1, 1], [], []>, transpose_lhs_hint = false} : vector<1000x128xf32>, vector<128x128xf32>, vector<1000x128xf32> -> vector<1000x128xf32>
    %swap3A_89 = arith.constant 0 : index
    %swap3A_90 = arith.constant 0 : index
    %swap3A_91 = vector.load %arg10[%swap3A_89, %swap3A_90] : memref<1000x128xf32, #tpu.memory_space<vmem>>, vector<1000x128xf32>
    tpu.vector_store %arg10[%swap3A_89, %swap3A_90], %dot_general3A_88 {strides = array<i32>} : memref<1000x128xf32, #tpu.memory_space<vmem>>, vector<1000x128xf32>,
    %get3A_92 = arith.constant 0 : index
    %get3A_93 = arith.constant 0 : index
    %get3A_94 = vector.load %arg7[%get3A_92, %get3A_93] : memref<128x128xf32, #tpu.memory_space<vmem>>, vector<128x128xf32>
    %dot_general3A_95 = arith.constant dense<0.000000e+00> : vector<1000x128xf32>
    %dot_general3A_96 = tpu.matmul %get3A_4, %get3A_94, %dot_general3A_95 {dimension_numbers = #tpu.dot_dimension_numbers<[1], [0], [0], [1], [0, 0, 1, 1], [], []>, transpose_lhs_hint = false} : vector<1000x128xf32>, vector<128x128xf32>, vector<1000x128xf32> -> vector<1000x128xf32>
    %swap3A_97 = arith.constant 0 : index
    %swap3A_98 = arith.constant 0 : index
    %swap3A_99 = vector.load %arg11[%swap3A_97, %swap3A_98] : memref<1000x128xf32, #tpu.memory_space<vmem>>, vector<1000x128xf32>
    tpu.vector_store %arg11[%swap3A_97, %swap3A_98], %dot_general3A_96 {strides = array<i32>} : memref<1000x128xf32, #tpu.memory_space<vmem>>, vector<1000x128xf32>,
    return
  }
  func.func @transform_0(%arg0: i32) -> (i32, i32) {
    %c0_i32 = arith.constant 0 : i32
    %c0_i32_0 = arith.constant 0 : i32
    return %arg0, %c0_i32 : i32, i32
  }
  func.func @transform_1(%arg0: i32) -> (i32, i32) {
    %c0_i32 = arith.constant 0 : i32
    %c0_i32_0 = arith.constant 0 : i32
    return %arg0, %c0_i32 : i32, i32
  }
  func.func @transform_2(%arg0: i32) -> (i32, i32) {
    %c0_i32 = arith.constant 0 : i32
    %c0_i32_0 = arith.constant 0 : i32
    %c0_i32_1 = arith.constant 0 : i32
    return %c0_i32, %c0_i32_0 : i32, i32
  }
  func.func @transform_3(%arg0: i32) -> (i32, i32) {
    %c0_i32 = arith.constant 0 : i32
    %c0_i32_0 = arith.constant 0 : i32
    %c0_i32_1 = arith.constant 0 : i32
    return %c0_i32, %c0_i32_0 : i32, i32
  }
  func.func @transform_4(%arg0: i32) -> (i32, i32) {
    %c0_i32 = arith.constant 0 : i32
    %c0_i32_0 = arith.constant 0 : i32
    %c0_i32_1 = arith.constant 0 : i32
    return %c0_i32, %c0_i32_0 : i32, i32
  }
  func.func @transform_5(%arg0: i32) -> (i32, i32) {
    %c0_i32 = arith.constant 0 : i32
    %c0_i32_0 = arith.constant 0 : i32
    %c0_i32_1 = arith.constant 0 : i32
    return %c0_i32, %c0_i32_0 : i32, i32
  }
  func.func @transform_6(%arg0: i32) -> (i32, i32) {
    %c0_i32 = arith.constant 0 : i32
    %c0_i32_0 = arith.constant 0 : i32
    %c0_i32_1 = arith.constant 0 : i32
    return %c0_i32, %c0_i32_0 : i32, i32
  }
  func.func @transform_7(%arg0: i32) -> (i32, i32) {
    %c0_i32 = arith.constant 0 : i32
    %c0_i32_0 = arith.constant 0 : i32
    return %arg0, %c0_i32 : i32, i32
  }
  func.func @transform_8(%arg0: i32) -> (i32, i32) {
    %c0_i32 = arith.constant 0 : i32
    %c0_i32_0 = arith.constant 0 : i32
    return %arg0, %c0_i32 : i32, i32
  }
  func.func @transform_9(%arg0: i32) -> (i32, i32) {
    %c0_i32 = arith.constant 0 : i32
    %c0_i32_0 = arith.constant 0 : i32
    return %arg0, %c0_i32 : i32, i32
  }
  func.func @transform_10(%arg0: i32) -> (i32, i32) {
    %c0_i32 = arith.constant 0 : i32
    %c0_i32_0 = arith.constant 0 : i32
    return %arg0, %c0_i32 : i32, i32
  }
}

module attributes {stable_mosaic.version = 14 : i64} {
  func.func @_edge_mlp_body(%arg0: i32, %arg1: memref<4000x128xi32, #tpu.memory_space<vmem>>, %arg2: memref<4000x128xi32, #tpu.memory_space<vmem>>, %arg3: memref<4000x8xf32, #tpu.memory_space<vmem>>, %arg4: memref<4000x1xf32, #tpu.memory_space<vmem>>, %arg5: memref<8x64xf32, #tpu.memory_space<vmem>>, %arg6: memref<8x64xf32, #tpu.memory_space<vmem>>, %arg7: memref<64x64xf32, #tpu.memory_space<vmem>>, %arg8: memref<64x64xf32, #tpu.memory_space<vmem>>, %arg9: memref<64x128xf32, #tpu.memory_space<vmem>>, %arg10: memref<64x1xf32, #tpu.memory_space<vmem>>, %arg11: memref<4000x128xf32, #tpu.memory_space<vmem>>, %arg12: memref<4000x1xf32, #tpu.memory_space<vmem>>) attributes {dimension_semantics = [#tpu.dimension_semantics<parallel>], iteration_bounds = array<i64: 80>, scalar_prefetch = 0 : i64, scratch_operands = 0 : i64, tpu.core_type = #tpu.core_type<tc>, window_params = [{transform_indices = @transform_0, window_bounds = array<i64: 4000, 128>}, {transform_indices = @transform_1, window_bounds = array<i64: 4000, 128>}, {transform_indices = @transform_2, window_bounds = array<i64: 4000, 8>}, {transform_indices = @transform_3, window_bounds = array<i64: 4000, 1>}, {pipeline_mode = #tpu.pipeline_mode<synchronous>, transform_indices = @transform_4, window_bounds = array<i64: 8, 64>}, {pipeline_mode = #tpu.pipeline_mode<synchronous>, transform_indices = @transform_5, window_bounds = array<i64: 8, 64>}, {pipeline_mode = #tpu.pipeline_mode<synchronous>, transform_indices = @transform_6, window_bounds = array<i64: 64, 64>}, {pipeline_mode = #tpu.pipeline_mode<synchronous>, transform_indices = @transform_7, window_bounds = array<i64: 64, 64>}, {pipeline_mode = #tpu.pipeline_mode<synchronous>, transform_indices = @transform_8, window_bounds = array<i64: 64, 128>}, {pipeline_mode = #tpu.pipeline_mode<synchronous>, transform_indices = @transform_9, window_bounds = array<i64: 64, 1>}, {transform_indices = @transform_10, window_bounds = array<i64: 4000, 128>}, {transform_indices = @transform_11, window_bounds = array<i64: 4000, 1>}]} {
    %get3A = arith.constant 0 : index
    %get3A_0 = arith.constant 0 : index
    %get3A_1 = vector.load %arg1[%get3A, %get3A_0] : memref<4000x128xi32, #tpu.memory_space<vmem>>, vector<4000x128xi32>
    %get3A_2 = arith.constant 0 : index
    %get3A_3 = arith.constant 0 : index
    %get3A_4 = vector.load %arg2[%get3A_2, %get3A_3] : memref<4000x128xi32, #tpu.memory_space<vmem>>, vector<4000x128xi32>
    %bitcast_convert_type3A = tpu.bitcast %get3A_1 : vector<4000x128xi32> -> vector<4000x128xi32>
    %shift_left3A = arith.constant 16 : i32
    %shift_left3A_5 = vector.broadcast %shift_left3A : i32 to vector<4000x128xi32>
    %shift_left3A_6 = arith.shli %bitcast_convert_type3A, %shift_left3A_5 : vector<4000x128xi32>
    %bitcast_convert_type3A_7 = tpu.bitcast %shift_left3A_6 : vector<4000x128xi32> -> vector<4000x128xf32>
    %bitcast_convert_type3A_8 = tpu.bitcast %get3A_1 : vector<4000x128xi32> -> vector<4000x128xi32>
    %and3A = arith.constant -65536 : i32
    %and3A_9 = vector.broadcast %and3A : i32 to vector<4000x128xi32>
    %and3A_10 = arith.andi %bitcast_convert_type3A_8, %and3A_9 : vector<4000x128xi32>
    %bitcast_convert_type3A_11 = tpu.bitcast %and3A_10 : vector<4000x128xi32> -> vector<4000x128xf32>
    %slice3A = vector.extract_strided_slice %get3A_4 {offsets = [0, 0], sizes = [4000, 64], strides = [1, 1]} : vector<4000x128xi32> to vector<4000x64xi32>
    %bitcast_convert_type3A_12 = tpu.bitcast %slice3A : vector<4000x64xi32> -> vector<4000x64xi32>
    %shift_left3A_13 = arith.constant 16 : i32
    %shift_left3A_14 = vector.broadcast %shift_left3A_13 : i32 to vector<4000x64xi32>
    %shift_left3A_15 = arith.shli %bitcast_convert_type3A_12, %shift_left3A_14 : vector<4000x64xi32>
    %bitcast_convert_type3A_16 = tpu.bitcast %shift_left3A_15 : vector<4000x64xi32> -> vector<4000x64xf32>
    %bitcast_convert_type3A_17 = tpu.bitcast %slice3A : vector<4000x64xi32> -> vector<4000x64xi32>
    %and3A_18 = arith.constant -65536 : i32
    %and3A_19 = vector.broadcast %and3A_18 : i32 to vector<4000x64xi32>
    %and3A_20 = arith.andi %bitcast_convert_type3A_17, %and3A_19 : vector<4000x64xi32>
    %bitcast_convert_type3A_21 = tpu.bitcast %and3A_20 : vector<4000x64xi32> -> vector<4000x64xf32>
    %get3A_22 = arith.constant 0 : index
    %get3A_23 = arith.constant 0 : index
    %get3A_24 = vector.load %arg3[%get3A_22, %get3A_23] : memref<4000x8xf32, #tpu.memory_space<vmem>>, vector<4000x8xf32>
    %slice3A_25 = vector.extract_strided_slice %bitcast_convert_type3A_7 {offsets = [0, 0], sizes = [4000, 64], strides = [1, 1]} : vector<4000x128xf32> to vector<4000x64xf32>
    %add3A = arith.addf %slice3A_25, %bitcast_convert_type3A_16 : vector<4000x64xf32>
    %get3A_26 = arith.constant 0 : index
    %get3A_27 = arith.constant 0 : index
    %get3A_28 = vector.load %arg5[%get3A_26, %get3A_27] : memref<8x64xf32, #tpu.memory_space<vmem>>, vector<8x64xf32>
    %dot_general3A = arith.constant dense<0.000000e+00> : vector<4000x64xf32>
    %dot_general3A_29 = tpu.matmul %get3A_24, %get3A_28, %dot_general3A {dimension_numbers = #tpu.dot_dimension_numbers<[1], [0], [0], [1], [0, 0, 1, 1], [], []>, transpose_lhs_hint = false} : vector<4000x8xf32>, vector<8x64xf32>, vector<4000x64xf32> -> vector<4000x64xf32>
    %add3A_30 = arith.addf %add3A, %dot_general3A_29 : vector<4000x64xf32>
    %logistic3A = arith.negf %add3A_30 : vector<4000x64xf32>
    %logistic3A_31 = math.exp %logistic3A : vector<4000x64xf32>
    %logistic3A_32 = arith.constant 1.000000e+00 : f32
    %logistic3A_33 = vector.broadcast %logistic3A_32 : f32 to vector<4000x64xf32>
    %logistic3A_34 = arith.addf %logistic3A_33, %logistic3A_31 : vector<4000x64xf32>
    %logistic3A_35 = arith.divf %logistic3A_33, %logistic3A_34 : vector<4000x64xf32>
    %mul3A = arith.mulf %add3A_30, %logistic3A_35 : vector<4000x64xf32>
    %slice3A_36 = vector.extract_strided_slice %bitcast_convert_type3A_7 {offsets = [0, 64], sizes = [4000, 64], strides = [1, 1]} : vector<4000x128xf32> to vector<4000x64xf32>
    %add3A_37 = arith.addf %slice3A_36, %bitcast_convert_type3A_21 : vector<4000x64xf32>
    %get3A_38 = arith.constant 0 : index
    %get3A_39 = arith.constant 0 : index
    %get3A_40 = vector.load %arg6[%get3A_38, %get3A_39] : memref<8x64xf32, #tpu.memory_space<vmem>>, vector<8x64xf32>
    %dot_general3A_41 = arith.constant dense<0.000000e+00> : vector<4000x64xf32>
    %dot_general3A_42 = tpu.matmul %get3A_24, %get3A_40, %dot_general3A_41 {dimension_numbers = #tpu.dot_dimension_numbers<[1], [0], [0], [1], [0, 0, 1, 1], [], []>, transpose_lhs_hint = false} : vector<4000x8xf32>, vector<8x64xf32>, vector<4000x64xf32> -> vector<4000x64xf32>
    %add3A_43 = arith.addf %add3A_37, %dot_general3A_42 : vector<4000x64xf32>
    %logistic3A_44 = arith.negf %add3A_43 : vector<4000x64xf32>
    %logistic3A_45 = math.exp %logistic3A_44 : vector<4000x64xf32>
    %logistic3A_46 = arith.constant 1.000000e+00 : f32
    %logistic3A_47 = vector.broadcast %logistic3A_46 : f32 to vector<4000x64xf32>
    %logistic3A_48 = arith.addf %logistic3A_47, %logistic3A_45 : vector<4000x64xf32>
    %logistic3A_49 = arith.divf %logistic3A_47, %logistic3A_48 : vector<4000x64xf32>
    %mul3A_50 = arith.mulf %add3A_43, %logistic3A_49 : vector<4000x64xf32>
    %get3A_51 = arith.constant 0 : index
    %get3A_52 = arith.constant 0 : index
    %get3A_53 = vector.load %arg7[%get3A_51, %get3A_52] : memref<64x64xf32, #tpu.memory_space<vmem>>, vector<64x64xf32>
    %dot_general3A_54 = arith.constant dense<0.000000e+00> : vector<4000x64xf32>
    %dot_general3A_55 = tpu.matmul %mul3A, %get3A_53, %dot_general3A_54 {dimension_numbers = #tpu.dot_dimension_numbers<[1], [0], [0], [1], [0, 0, 1, 1], [], []>, transpose_lhs_hint = false} : vector<4000x64xf32>, vector<64x64xf32>, vector<4000x64xf32> -> vector<4000x64xf32>
    %logistic3A_56 = arith.negf %dot_general3A_55 : vector<4000x64xf32>
    %logistic3A_57 = math.exp %logistic3A_56 : vector<4000x64xf32>
    %logistic3A_58 = arith.constant 1.000000e+00 : f32
    %logistic3A_59 = vector.broadcast %logistic3A_58 : f32 to vector<4000x64xf32>
    %logistic3A_60 = arith.addf %logistic3A_59, %logistic3A_57 : vector<4000x64xf32>
    %logistic3A_61 = arith.divf %logistic3A_59, %logistic3A_60 : vector<4000x64xf32>
    %mul3A_62 = arith.mulf %dot_general3A_55, %logistic3A_61 : vector<4000x64xf32>
    %get3A_63 = arith.constant 0 : index
    %get3A_64 = arith.constant 0 : index
    %get3A_65 = vector.load %arg8[%get3A_63, %get3A_64] : memref<64x64xf32, #tpu.memory_space<vmem>>, vector<64x64xf32>
    %dot_general3A_66 = arith.constant dense<0.000000e+00> : vector<4000x64xf32>
    %dot_general3A_67 = tpu.matmul %mul3A_62, %get3A_65, %dot_general3A_66 {dimension_numbers = #tpu.dot_dimension_numbers<[1], [0], [0], [1], [0, 0, 1, 1], [], []>, transpose_lhs_hint = false} : vector<4000x64xf32>, vector<64x64xf32>, vector<4000x64xf32> -> vector<4000x64xf32>
    %logistic3A_68 = arith.negf %dot_general3A_67 : vector<4000x64xf32>
    %logistic3A_69 = math.exp %logistic3A_68 : vector<4000x64xf32>
    %logistic3A_70 = arith.constant 1.000000e+00 : f32
    %logistic3A_71 = vector.broadcast %logistic3A_70 : f32 to vector<4000x64xf32>
    %logistic3A_72 = arith.addf %logistic3A_71, %logistic3A_69 : vector<4000x64xf32>
    %logistic3A_73 = arith.divf %logistic3A_71, %logistic3A_72 : vector<4000x64xf32>
    %mul3A_74 = arith.mulf %dot_general3A_67, %logistic3A_73 : vector<4000x64xf32>
    %get3A_75 = arith.constant 0 : index
    %get3A_76 = arith.constant 0 : index
    %get3A_77 = vector.load %arg9[%get3A_75, %get3A_76] : memref<64x128xf32, #tpu.memory_space<vmem>>, vector<64x128xf32>
    %dot_general3A_78 = arith.constant dense<0.000000e+00> : vector<4000x128xf32>
    %dot_general3A_79 = tpu.matmul %mul3A_74, %get3A_77, %dot_general3A_78 {dimension_numbers = #tpu.dot_dimension_numbers<[1], [0], [0], [1], [0, 0, 1, 1], [], []>, transpose_lhs_hint = false} : vector<4000x64xf32>, vector<64x128xf32>, vector<4000x128xf32> -> vector<4000x128xf32>
    %get3A_80 = arith.constant 0 : index
    %get3A_81 = arith.constant 0 : index
    %get3A_82 = vector.load %arg4[%get3A_80, %get3A_81] : memref<4000x1xf32, #tpu.memory_space<vmem>>, vector<4000x1xf32>
    %mul3A_83 = vector.broadcast %get3A_82 : vector<4000x1xf32> to vector<4000x128xf32>
    %mul3A_84 = arith.mulf %mul3A_83, %dot_general3A_79 : vector<4000x128xf32>
    %mul3A_85 = arith.mulf %bitcast_convert_type3A_11, %mul3A_84 : vector<4000x128xf32>
    %swap3A = arith.constant 0 : index
    %swap3A_86 = arith.constant 0 : index
    %swap3A_87 = vector.load %arg11[%swap3A, %swap3A_86] : memref<4000x128xf32, #tpu.memory_space<vmem>>, vector<4000x128xf32>
    tpu.vector_store %arg11[%swap3A, %swap3A_86], %mul3A_85 {strides = array<i32>} : memref<4000x128xf32, #tpu.memory_space<vmem>>, vector<4000x128xf32>,
    %get3A_88 = arith.constant 0 : index
    %get3A_89 = arith.constant 0 : index
    %get3A_90 = vector.load %arg10[%get3A_88, %get3A_89] : memref<64x1xf32, #tpu.memory_space<vmem>>, vector<64x1xf32>
    %dot_general3A_91 = arith.constant dense<0.000000e+00> : vector<4000x1xf32>
    %dot_general3A_92 = tpu.matmul %mul3A_50, %get3A_90, %dot_general3A_91 {dimension_numbers = #tpu.dot_dimension_numbers<[1], [0], [0], [1], [0, 0, 1, 1], [], []>, transpose_lhs_hint = false} : vector<4000x64xf32>, vector<64x1xf32>, vector<4000x1xf32> -> vector<4000x1xf32>
    %mul3A_93 = arith.mulf %dot_general3A_92, %dot_general3A_92 : vector<4000x1xf32>
    %tanh3A = math.tanh %mul3A_93 : vector<4000x1xf32>
    %swap3A_94 = arith.constant 0 : index
    %swap3A_95 = arith.constant 0 : index
    %swap3A_96 = vector.load %arg12[%swap3A_94, %swap3A_95] : memref<4000x1xf32, #tpu.memory_space<vmem>>, vector<4000x1xf32>
    tpu.vector_store %arg12[%swap3A_94, %swap3A_95], %tanh3A {strides = array<i32>} : memref<4000x1xf32, #tpu.memory_space<vmem>>, vector<4000x1xf32>,
    return
  }
  func.func @transform_0(%arg0: i32) -> (i32, i32) {
    %c0_i32 = arith.constant 0 : i32
    %c0_i32_0 = arith.constant 0 : i32
    return %arg0, %c0_i32 : i32, i32
  }
  func.func @transform_1(%arg0: i32) -> (i32, i32) {
    %c0_i32 = arith.constant 0 : i32
    %c0_i32_0 = arith.constant 0 : i32
    return %arg0, %c0_i32 : i32, i32
  }
  func.func @transform_2(%arg0: i32) -> (i32, i32) {
    %c0_i32 = arith.constant 0 : i32
    %c0_i32_0 = arith.constant 0 : i32
    return %arg0, %c0_i32 : i32, i32
  }
  func.func @transform_3(%arg0: i32) -> (i32, i32) {
    %c0_i32 = arith.constant 0 : i32
    %c0_i32_0 = arith.constant 0 : i32
    return %arg0, %c0_i32 : i32, i32
  }
  func.func @transform_4(%arg0: i32) -> (i32, i32) {
    %c0_i32 = arith.constant 0 : i32
    %c0_i32_0 = arith.constant 0 : i32
    %c0_i32_1 = arith.constant 0 : i32
    return %c0_i32, %c0_i32_0 : i32, i32
  }
  func.func @transform_5(%arg0: i32) -> (i32, i32) {
    %c0_i32 = arith.constant 0 : i32
    %c0_i32_0 = arith.constant 0 : i32
    %c0_i32_1 = arith.constant 0 : i32
    return %c0_i32, %c0_i32_0 : i32, i32
  }
  func.func @transform_6(%arg0: i32) -> (i32, i32) {
    %c0_i32 = arith.constant 0 : i32
    %c0_i32_0 = arith.constant 0 : i32
    %c0_i32_1 = arith.constant 0 : i32
    return %c0_i32, %c0_i32_0 : i32, i32
  }
  func.func @transform_7(%arg0: i32) -> (i32, i32) {
    %c0_i32 = arith.constant 0 : i32
    %c0_i32_0 = arith.constant 0 : i32
    %c0_i32_1 = arith.constant 0 : i32
    return %c0_i32, %c0_i32_0 : i32, i32
  }
  func.func @transform_8(%arg0: i32) -> (i32, i32) {
    %c0_i32 = arith.constant 0 : i32
    %c0_i32_0 = arith.constant 0 : i32
    %c0_i32_1 = arith.constant 0 : i32
    return %c0_i32, %c0_i32_0 : i32, i32
  }
  func.func @transform_9(%arg0: i32) -> (i32, i32) {
    %c0_i32 = arith.constant 0 : i32
    %c0_i32_0 = arith.constant 0 : i32
    %c0_i32_1 = arith.constant 0 : i32
    return %c0_i32, %c0_i32_0 : i32, i32
  }
  func.func @transform_10(%arg0: i32) -> (i32, i32) {
    %c0_i32 = arith.constant 0 : i32
    %c0_i32_0 = arith.constant 0 : i32
    return %arg0, %c0_i32 : i32, i32
  }
  func.func @transform_11(%arg0: i32) -> (i32, i32) {
    %c0_i32 = arith.constant 0 : i32
    %c0_i32_0 = arith.constant 0 : i32
    return %arg0, %c0_i32 : i32, i32
  }
}

module attributes {stable_mosaic.version = 14 : i64} {
  func.func @_final_body(%arg0: i32, %arg1: memref<2x1024x128xf32, #tpu.memory_space<vmem>>, %arg2: memref<2x1024x1xf32, #tpu.memory_space<vmem>>, %arg3: memref<1024x128xf32, #tpu.memory_space<vmem>>, %arg4: memref<128x128xf32, #tpu.memory_space<vmem>>, %arg5: memref<128x128xf32, #tpu.memory_space<vmem>>, %arg6: memref<1x1xf32, #tpu.memory_space<smem>>, %arg7: memref<1x1xf32, #tpu.memory_space<smem>>, %arg8: memref<1024x128xf32, #tpu.memory_space<vmem>>) attributes {dimension_semantics = [#tpu.dimension_semantics<parallel>], iteration_bounds = array<i64: 10>, scalar_prefetch = 0 : i64, scratch_operands = 0 : i64, tpu.core_type = #tpu.core_type<tc>, window_params = [{transform_indices = @transform_0, window_bounds = array<i64: 2, 1024, 128>}, {transform_indices = @transform_1, window_bounds = array<i64: 2, 1024, 1>}, {transform_indices = @transform_2, window_bounds = array<i64: 1024, 128>}, {pipeline_mode = #tpu.pipeline_mode<synchronous>, transform_indices = @transform_3, window_bounds = array<i64: 128, 128>}, {pipeline_mode = #tpu.pipeline_mode<synchronous>, transform_indices = @transform_4, window_bounds = array<i64: 128, 128>}, {transform_indices = @transform_5, window_bounds = array<i64: 1, 1>}, {transform_indices = @transform_6, window_bounds = array<i64: 1, 1>}, {transform_indices = @transform_7, window_bounds = array<i64: 1024, 128>}]} {
    %get3A = arith.constant 0 : index
    %get3A_0 = arith.constant 0 : index
    %get3A_1 = arith.constant 0 : index
    %get3A_2 = vector.load %arg1[%get3A, %get3A_0, %get3A_1] : memref<2x1024x128xf32, #tpu.memory_space<vmem>>, vector<1x1024x128xf32>
    %get3A_3 = vector.shape_cast %get3A_2 : vector<1x1024x128xf32> to vector<1024x128xf32>
    %get3A_4 = arith.constant 1 : index
    %get3A_5 = arith.constant 0 : index
    %get3A_6 = arith.constant 0 : index
    %get3A_7 = vector.load %arg1[%get3A_4, %get3A_5, %get3A_6] : memref<2x1024x128xf32, #tpu.memory_space<vmem>>, vector<1x1024x128xf32>
    %get3A_8 = vector.shape_cast %get3A_7 : vector<1x1024x128xf32> to vector<1024x128xf32>
    %add3A = arith.addf %get3A_3, %get3A_8 : vector<1024x128xf32>
    %get3A_9 = arith.constant 0 : index
    %get3A_10 = arith.constant 0 : index
    %get3A_11 = arith.constant 0 : index
    %get3A_12 = vector.load %arg2[%get3A_9, %get3A_10, %get3A_11] : memref<2x1024x1xf32, #tpu.memory_space<vmem>>, vector<1x1024x1xf32>
    %get3A_13 = vector.shape_cast %get3A_12 : vector<1x1024x1xf32> to vector<1024x1xf32>
    %get3A_14 = arith.constant 1 : index
    %get3A_15 = arith.constant 0 : index
    %get3A_16 = arith.constant 0 : index
    %get3A_17 = vector.load %arg2[%get3A_14, %get3A_15, %get3A_16] : memref<2x1024x1xf32, #tpu.memory_space<vmem>>, vector<1x1024x1xf32>
    %get3A_18 = vector.shape_cast %get3A_17 : vector<1x1024x1xf32> to vector<1024x1xf32>
    %add3A_19 = arith.addf %get3A_13, %get3A_18 : vector<1024x1xf32>
    %get3A_20 = arith.constant 0 : index
    %get3A_21 = arith.constant 0 : index
    %get3A_22 = vector.load %arg4[%get3A_20, %get3A_21] : memref<128x128xf32, #tpu.memory_space<vmem>>, vector<128x128xf32>
    %dot_general3A = arith.constant dense<0.000000e+00> : vector<1024x128xf32>
    %dot_general3A_23 = tpu.matmul %add3A, %get3A_22, %dot_general3A {dimension_numbers = #tpu.dot_dimension_numbers<[1], [0], [0], [1], [0, 0, 1, 1], [], []>, transpose_lhs_hint = false} : vector<1024x128xf32>, vector<128x128xf32>, vector<1024x128xf32> -> vector<1024x128xf32>
    %get3A_24 = arith.constant 0 : index
    %get3A_25 = arith.constant 0 : index
    %get3A_26 = memref.load %arg7[%get3A_24, %get3A_25] : memref<1x1xf32, #tpu.memory_space<smem>>
    %mul3A = vector.broadcast %get3A_26 : f32 to vector<1024x1xf32>
    %mul3A_27 = arith.mulf %add3A_19, %mul3A : vector<1024x1xf32>
    %get3A_28 = arith.constant 0 : index
    %get3A_29 = arith.constant 0 : index
    %get3A_30 = memref.load %arg6[%get3A_28, %get3A_29] : memref<1x1xf32, #tpu.memory_space<smem>>
    %add3A_31 = vector.broadcast %get3A_30 : f32 to vector<1024x1xf32>
    %add3A_32 = arith.addf %mul3A_27, %add3A_31 : vector<1024x1xf32>
    %div3A = vector.broadcast %add3A_32 : vector<1024x1xf32> to vector<1024x128xf32>
    %div3A_33 = arith.divf %dot_general3A_23, %div3A : vector<1024x128xf32>
    %get3A_34 = arith.constant 0 : index
    %get3A_35 = arith.constant 0 : index
    %get3A_36 = vector.load %arg3[%get3A_34, %get3A_35] : memref<1024x128xf32, #tpu.memory_space<vmem>>, vector<1024x128xf32>
    %add3A_37 = arith.addf %div3A_33, %get3A_36 : vector<1024x128xf32>
    %logistic3A = arith.negf %add3A_37 : vector<1024x128xf32>
    %logistic3A_38 = math.exp %logistic3A : vector<1024x128xf32>
    %logistic3A_39 = arith.constant 1.000000e+00 : f32
    %logistic3A_40 = vector.broadcast %logistic3A_39 : f32 to vector<1024x128xf32>
    %logistic3A_41 = arith.addf %logistic3A_40, %logistic3A_38 : vector<1024x128xf32>
    %logistic3A_42 = arith.divf %logistic3A_40, %logistic3A_41 : vector<1024x128xf32>
    %mul3A_43 = arith.mulf %add3A_37, %logistic3A_42 : vector<1024x128xf32>
    %get3A_44 = arith.constant 0 : index
    %get3A_45 = arith.constant 0 : index
    %get3A_46 = vector.load %arg5[%get3A_44, %get3A_45] : memref<128x128xf32, #tpu.memory_space<vmem>>, vector<128x128xf32>
    %dot_general3A_47 = arith.constant dense<0.000000e+00> : vector<1024x128xf32>
    %dot_general3A_48 = tpu.matmul %mul3A_43, %get3A_46, %dot_general3A_47 {dimension_numbers = #tpu.dot_dimension_numbers<[1], [0], [0], [1], [0, 0, 1, 1], [], []>, transpose_lhs_hint = false} : vector<1024x128xf32>, vector<128x128xf32>, vector<1024x128xf32> -> vector<1024x128xf32>
    %swap3A = arith.constant 0 : index
    %swap3A_49 = arith.constant 0 : index
    %swap3A_50 = vector.load %arg8[%swap3A, %swap3A_49] : memref<1024x128xf32, #tpu.memory_space<vmem>>, vector<1024x128xf32>
    tpu.vector_store %arg8[%swap3A, %swap3A_49], %dot_general3A_48 {strides = array<i32>} : memref<1024x128xf32, #tpu.memory_space<vmem>>, vector<1024x128xf32>,
    return
  }
  func.func @transform_0(%arg0: i32) -> (i32, i32, i32) {
    %c0_i32 = arith.constant 0 : i32
    %c0_i32_0 = arith.constant 0 : i32
    %c0_i32_1 = arith.constant 0 : i32
    return %c0_i32, %arg0, %c0_i32_0 : i32, i32, i32
  }
  func.func @transform_1(%arg0: i32) -> (i32, i32, i32) {
    %c0_i32 = arith.constant 0 : i32
    %c0_i32_0 = arith.constant 0 : i32
    %c0_i32_1 = arith.constant 0 : i32
    return %c0_i32, %arg0, %c0_i32_0 : i32, i32, i32
  }
  func.func @transform_2(%arg0: i32) -> (i32, i32) {
    %c0_i32 = arith.constant 0 : i32
    %c0_i32_0 = arith.constant 0 : i32
    return %arg0, %c0_i32 : i32, i32
  }
  func.func @transform_3(%arg0: i32) -> (i32, i32) {
    %c0_i32 = arith.constant 0 : i32
    %c0_i32_0 = arith.constant 0 : i32
    %c0_i32_1 = arith.constant 0 : i32
    return %c0_i32, %c0_i32_0 : i32, i32
  }
  func.func @transform_4(%arg0: i32) -> (i32, i32) {
    %c0_i32 = arith.constant 0 : i32
    %c0_i32_0 = arith.constant 0 : i32
    %c0_i32_1 = arith.constant 0 : i32
    return %c0_i32, %c0_i32_0 : i32, i32
  }
  func.func @transform_5(%arg0: i32) -> (i32, i32) {
    %c0_i32 = arith.constant 0 : i32
    %c0_i32_0 = arith.constant 0 : i32
    %c0_i32_1 = arith.constant 0 : i32
    return %c0_i32, %c0_i32_0 : i32, i32
  }
  func.func @transform_6(%arg0: i32) -> (i32, i32) {
    %c0_i32 = arith.constant 0 : i32
    %c0_i32_0 = arith.constant 0 : i32
    %c0_i32_1 = arith.constant 0 : i32
    return %c0_i32, %c0_i32_0 : i32, i32
  }
  func.func @transform_7(%arg0: i32) -> (i32, i32) {
    %c0_i32 = arith.constant 0 : i32
    %c0_i32_0 = arith.constant 0 : i32
    return %arg0, %c0_i32 : i32, i32
  }
}

</mosaic_0001>

<sc_bundles>
// kernel: kernel.10.cloned.1.call-start
scs
__scs_entry_jumppad:
0x0: {  	(pc) =	sbr.rel $0x88, $3  }
0x1: {  	(tag) =	ssettag $0x0;
	lr =	simm.s32 $0x1  }
0x2: {  	[smem:$0x3F8D] =	sst lr;
	_ =	strace $0xD0000000  }
0x3: {  	_ = 	snop  }
0x4: {  	_ = 	snop  }
0x5: {  	_ = 	snop  }
0x6: {  	_ = 	snop  }
0x7: {  	_ = 	snop  }
__scs_overlays_trampoline_lowered:
0x8: {  	[smem:$0x3F9C] =	sst s0  }
0x9: {  	[smem:$0x3F9D] =	sst s1  }
0xa: {  	[smem:$0x3F9E] =	sst s2  }
0xb: {  	[smem:$0x3F9F] =	sst s3  }
0xc: {  	[smem:$0x3FA0] =	sst s4  }
0xd: {  	[smem:$0x3FA1] =	sst s5  }
0xe: {  	[smem:$0x3FA2] =	sst s6  }
0xf: {  	[smem:$0x3FA3] =	sst s7  }
0x10: {  	[smem:$0x3FA4] =	sst s8  }
0x11: {  	[smem:$0x3FA5] =	sst s9;
	s0 =	simm.s32 @!p0 $0x0  }
0x12: {  	s1 =	sld [smem:$0x3F8B];
	s0 =	simm.s32 @p0 $0x1  }
0x13: {  	[smem:$0x3FA6] =	sst s0;
	s0 =	simm.s32 @!p1 $0x0  }
0x14: {  	s2 =	sld [smem:$0x3F8A];
	s0 =	simm.s32 @p1 $0x1  }
0x15: {  	[smem:$0x3FA7] =	sst s0;
	s0 =	simm.s32 @!p2 $0x0  }
0x16: {  	s3 =	sld [smem:$0x3FDB];
	s0 =	simm.s32 @p2 $0x1  }
0x17: {  	s4 =	simm.s32 $0x1BF5;
	[smem:$0x3FA9] =	sst s0  }
0x18: {  	s0 =	sld [smem:$0x3F8C];
	_ =	swait.ge [sflag:s4], $0x0  }
0x19: {  	s7 =	sld [smem:$0x3F8D]  }
0x1a: {  	s8 =	sadd.s32 $0xFFFFE003, lr  }
0x1b: {  	s9 =	sadd.s32 $0xFFFFFEF7, lr;
	s5 =	simm.s32 $0xFFFFFFFF;
	p2 =	slt.u32 s8, $0xFFFFF086  }
0x1c: {  	p1 =	slt.u32 s9, $0xF7A;
	s5 =	simm.s32 @!p2 $0x0  }
0x1d: {  	s5 =	simm.s32 @p1 $0x1;
	p0 =	seq.s32 s7, s2  }
0x1e: {  	s7 =	smul.u32 @!p0 $0xF7A, s2;
	p2 =	seq.s32 @!p0 s5, $0x0  }
0x1f: {  	s9 =	smul.u32 $0xF7A, s1;
	s8 =	simm.s32 @!p0 $0x1BF5;
	p2 =	por !p2, p0  }
0x20: {  	[sflag:s8] =	ssyncset.s32 @!p0 $0xFFFFF086;
	s6 =	sadd.s32 @!p0 s3, s7;
	s7 =	simm.s32 @!p0 $0x108  }
0x21: {  	s3 =	sadd.s32 s3, s9;
	s6 =	sadd.s32 @!p0 $0x88, s6;
	s7 =	simm.s32 @p2 $0x1082  }
0x22: {  	[simem:s7], [sflag:s8] =	dma.local @!p0 [hbm:s6], $0xF7A  }
0x23: {  	s9 =	sor.u32 $0xD0000000, s2;
	s6 =	simm.s32 $0x108;
	_ =	swait.ge @!p0 [sflag:s8], $0x0  }
0x24: {  	s3 =	sadd.s32 $0x88, s3;
	s6 =	simm.s32 @!p1 $0x1082;
	[sflag:s4] =	ssyncset.s32 $0xFFFFF086  }
0x25: {  	[simem:s6], [sflag:s4] =	dma.local [hbm:s3], $0xF7A  }
0x26: {  	[smem:$0x3F8D] =	sst s1;
	(tag) =	ssettag s2;
	_ =	strace s9  }
0x27: {  	s1 =	sld [smem:$0x3F9D]  }
0x28: {  	s2 =	sld [smem:$0x3F9E]  }
0x29: {  	s4 =	sld [smem:$0x3FA0]  }
0x2a: {  	p0 =	seq.s32 s5, $0x0;
	s5 =	sld [smem:$0x3FA1]  }
0x2b: {  	s6 =	sld [smem:$0x3FA2]  }
0x2c: {  	s7 =	sld [smem:$0x3FA3]  }
0x2d: {  	s3 =	simm.s32 $0x108;
	s8 =	sld [smem:$0x3FA4]  }
0x2e: {  	s3 =	simm.s32 @!p0 $0x1082;
	s9 =	sld [smem:$0x3FA5]  }
0x2f: {  	lr =	sadd.s32 s0, s3;
	s0 =	sld [smem:$0x3F9C]  }
0x30: {  	s3 =	sld [smem:$0x3F9F]  }
0x31: {  	[smem:$0x3FA8] =	sst s10  }
0x32: {  	s10 =	sld [smem:$0x3FA6];
	_ =	sdelay $0x3  }
0x33: {  	p0 =	seq.s32 s10, $0x1;
	s10 =	sld [smem:$0x3FA8];
	_ =	sdelay $0x3  }
0x34: {  	[smem:$0x3FA8] =	sst s10  }
0x35: {  	s10 =	sld [smem:$0x3FA7];
	_ =	sdelay $0x3  }
0x36: {  	p1 =	seq.s32 s10, $0x1;
	s10 =	sld [smem:$0x3FA8];
	_ =	sdelay $0x3  }
0x37: {  	[smem:$0x3FA8] =	sst s10  }
0x38: {  	s10 =	sld [smem:$0x3FA9]  }
0x39: {  	_ = 	snop;
	(pc) =	sbr.ind lr, $3  }
0x3a: {  	_ = 	snop  }
0x3b: {  	_ = 	snop  }
0x3c: {  	p2 =	seq.s32 s10, $0x1;
	s10 =	sld [smem:$0x3FA8]  }
0x3d: {  	_ =	shalt  }
0x3e: {  	_ =	shalt  }
0x3f: {  	_ =	shalt  }
0x40: {  	_ =	shalt  }
0x41: {  	_ =	shalt  }
0x42: {  	_ =	shalt  }
0x43: {  	_ =	shalt  }
0x44: {  	_ =	shalt  }
0x45: {  	_ =	shalt  }
0x46: {  	_ =	shalt  }
0x47: {  	_ =	shalt  }
0x48: {  	_ =	shalt  }
0x49: {  	_ =	shalt  }
0x4a: {  	_ =	shalt  }
0x4b: {  	_ =	shalt  }
0x4c: {  	_ =	shalt  }
0x4d: {  	_ =	shalt  }
0x4e: {  	_ =	shalt  }
0x4f: {  	_ =	shalt  }
0x50: {  	_ =	shalt  }
0x51: {  	_ =	shalt  }
0x52: {  	_ =	shalt  }
0x53: {  	_ =	shalt  }
0x54: {  	_ =	shalt  }
0x55: {  	_ =	shalt  }
0x56: {  	_ =	shalt  }
0x57: {  	_ =	shalt  }
0x58: {  	_ =	shalt  }
0x59: {  	_ =	shalt  }
0x5a: {  	_ =	shalt  }
0x5b: {  	_ =	shalt  }
0x5c: {  	_ =	shalt  }
0x5d: {  	_ =	shalt  }
0x5e: {  	_ =	shalt  }
0x5f: {  	_ =	shalt  }
0x60: {  	_ =	shalt  }
0x61: {  	_ =	shalt  }
0x62: {  	_ =	shalt  }
0x63: {  	_ =	shalt  }
0x64: {  	_ =	shalt  }
0x65: {  	_ =	shalt  }
0x66: {  	_ =	shalt  }
0x67: {  	_ =	shalt  }
0x68: {  	_ =	shalt  }
0x69: {  	_ =	shalt  }
0x6a: {  	_ =	shalt  }
0x6b: {  	_ =	shalt  }
0x6c: {  	_ =	shalt  }
0x6d: {  	_ =	shalt  }
0x6e: {  	_ =	shalt  }
0x6f: {  	_ =	shalt  }
0x70: {  	_ =	shalt  }
0x71: {  	_ =	shalt  }
0x72: {  	_ =	shalt  }
0x73: {  	_ =	shalt  }
0x74: {  	_ =	shalt  }
0x75: {  	_ =	shalt  }
0x76: {  	_ =	shalt  }
0x77: {  	_ =	shalt  }
0x78: {  	_ =	shalt  }
0x79: {  	_ =	shalt  }
0x7a: {  	_ =	shalt  }
0x7b: {  	_ =	shalt  }
0x7c: {  	_ =	shalt  }
0x7d: {  	_ =	shalt  }
0x7e: {  	_ =	shalt  }
0x7f: {  	_ =	shalt  }
0x80: {  	_ =	shalt  }
0x81: {  	_ =	shalt  }
0x82: {  	_ =	shalt  }
0x83: {  	_ =	shalt  }
0x84: {  	_ =	shalt  }
0x85: {  	_ =	shalt  }
0x86: {  	_ =	shalt  }
0x87: {  	_ =	shalt  }
.Lfunc_end0:
.L_simem_size_0:
called_computation.1_lowered:
.L_overlay_start_0:
0x88: {  	s2 =	sld [smem:$0x3FD9]  }
0x89: {  	s3 =	sld [smem:$0x3FFE];
	_ =	sdelay $0x1  }
0x8a: {  	s1 =	srdreg.scid  }
0x8b: {  	s0 =	sand.u32 $0x1, s1  }
0x8c: {  	s14 =	sshll.u32 s0, $0xA;
	s2 =	sadd.s32 s3, s2  }
0x8d: {  	s2 =	sadd.s32 s2, s14  }
0x8e: {  	[smem:$0x3FB4] =	sst s2  }
0x8f: {  	_ = 	snop  }
0x90: {  	s2 =	sld [smem:$0x3FD0];
	_ =	sdelay $0x2  }
0x91: {  	s15 =	simm.s32 $0xA;
	s4 =	simm.s32 $0x10  }
0x92: {  	[smem:s4], [sflag:s15] =	dma.local [hbm:s2], $0x1  }
0x93: {  	_ =	swait.eq [sflag:s15], $0x1  }
0x94: {  	[sflag:s15] =	ssyncset.done $0x0  }
0x95: {  	[sflag:s15] =	ssyncadd.s32 $0xFFFFFFFF  }
0x96: {  	s16 =	sld [smem:$0x10];
	(tm) =	ssettm $0x1  }
0x97: {  	s17 =	sld [smem:$0x3FFB];
	_ =	sdelay $0x3  }
0x98: {  	_ =	strace s17  }
0x99: {  	s3 =	sld [smem:$0x3FFC];
	_ =	sdelay $0x3  }
0x9a: {  	_ =	strace s3  }
0x9b: {  	s3 =	sld [smem:$0x3FFD];
	_ =	sdelay $0x3  }
0x9c: {  	_ =	strace s3  }
0x9d: {  	_ =	strace $0x8FFFFFFF  }
0x9e: {  	s18 =	sld [smem:$0x3FDB];
	_ =	sdelay $0x1  }
0x9f: {  	s19 =	simm.s32 $_scs_section_size  }
0xa0: {  	s5 =	simm.s32 $_size__tile_overlayer_lowered;
	s6 =	simm.s32 $_tile_overlayer_lowered  }
0xa1: {  	s22 =	simm.s32 $0x1BFF;
	s21 =	sshll.u32 s6, $0x1;
	s3 =	sadd.s32 s19, s18  }
0xa2: {  	s7 =	simm.s32 $0x0;
	s20 =	sshll.u32 s5, $0x1;
	s5 =	sadd.s32 s21, s3  }
0xa3: {  	[timem:s7], [sflag:s22] =	dma.local [hbm:s5], s20  }
0xa4: {  	_ =	swait.ge [sflag:s22], s20  }
0xa5: {  	s4 =	ssub.s32 $0x0, s20;
	[sflag:s22] =	ssyncset.done $0x0  }
0xa6: {  	[sflag:s22] =	ssyncadd.s32 s4;
	_ =	sdelay $0x1  }
0xa7: {  	s23 =	simm.s32 $0x1B8B  }
0xa8: {  	_ =	swait.ge [sflag:s23], $0x1  }
0xa9: {  	[sflag:s23] =	ssyncset.done $0x0  }
0xaa: {  	s25 =	simm.s32 $0x1B8E;
	s24 =	sld [smem:$0x3FFE];
	[sflag:s23] =	ssyncadd.s32 $0xFFFFFFFF  }
0xab: {  	s26 =	simm.s32 $execute0_lowered;
	[smem:$0x3FD2] =	sst s25  }
0xac: {  	s5 =	sshll.u32 s26, $0x1;
	_ =	strace $0x80000049;
	[dreg:$0x1] =	wrdreg $0xFFFFFFFF  }
0xad: {  	s28 =	simm.s32 $_size_execute0_lowered;
	s3 =	sadd.s32 s3, s5;
	[dreg:$0x0] =	wrdreg $0x0  }
0xae: {  	s5 =	sshll.u32 s28, $0x1;
	[dreg:$0x2] =	wrdreg s3  }
0xaf: {  	[dreg:$0x3] =	wrdreg s5  }
0xb0: {  	[dreg:$0x4] =	wrdreg $0xC0  }
0xb1: {  	_ =	task [dreg:s7], $0x5FFFF  }
0xb2: {  	[dreg:$0x1] =	wrdreg $0xFFFFFFFF  }
0xb3: {  	[dreg:$0x0] =	wrdreg $0x60  }
0xb4: {  	[dreg:$0x2] =	wrdreg s24  }
0xb5: {  	[dreg:$0x3] =	wrdreg s16  }
0xb6: {  	[dreg:$0x4] =	wrdreg $0x91000  }
0xb7: {  	[dreg:$0x5] =	wrdreg $0x1D1000  }
0xb8: {  	[dreg:$0x6] =	wrdreg $0x9  }
0xb9: {  	_ =	task.clear_ibuf [dreg:s7], $0x7FFFF;
	_ =	strace $0x90000049  }
0xba: {  	s29 =	simm.s32 $0x9;
	_ =	strace $0x8000004B  }
0xbb: {  	_ =	swait.ge [sflag:s29], $0x1  }
0xbc: {  	[sflag:s29] =	ssyncadd.s32 $0xFFFFFFFF  }
0xbd: {  	_ =	strace $0x9000004B  }
0xbe: {  	_ =	sfence  }
0xbf: {  	s30 =	sld [smem:$0x0];
	_ =	sdelay $0x2  }
0xc0: {  	s31 =	sshll.u32 s1, $0xD;
	s1 =	sshrl.u32 s1, $0x2  }
0xc1: {  	s3 =	sand.u32 $0x4000, s31;
	s1 =	sadd.s32 s1, s30  }
0xc2: {  	s0 =	sor.u32 s3, s0;
	s1 =	sshll.u32 s1, $0x11  }
0xc3: {  	s0 =	sor.u32 s1, s0  }
0xc4: {  	s0 =	sadd.s32 $0x8F2B, s0  }
0xc5: {  	[sflag:s0] =	ssyncadd.remote.s32 $0x1  }
0xc6: {  	_ =	sfence.sel $0xFFFF  }
0xc7: {  	[dreg:$0x0] =	wrdreg $0xFFFFFFFF;
	(pc) =	sbr.abs _section_cstart, $3  }
0xc8: {  	[dreg:$0x1] =	wrdreg $0xFFFFFFFF  }
0xc9: {  	_ =	task.clear_ibuf [dreg:s7], $0x2FFFF;
	_ =	strace $0x9FFFFFFF  }
0xca: {  	(tm) =	ssettm $0x7FFFFFFF  }
0xcb: {  	_ =	shalt  }
tec
execute0_lowered:
.L_overlay_start_1:
0x0: {  	(tag) =	ssettag $0x1  }
0x1: {  	s0 =	rddreg [dreg:$0x0]  }
0x2: {  	s1 =	rddreg [dreg:$0x1];
	s15 =	stileid.u32  }
0x3: {  	s3 =	rddreg [dreg:$0x2];
	s8 =	smul.u32 $0x14000, s15  }
0x4: {  	s4 =	rddreg [dreg:$0x3];
	s10 =	smul.u32 $0x500, s15  }
0x5: {  	s2 =	srdreg.scid;
	s11 =	smul.u32 $0x50000, s15  }
0x6: {  	s5 =	simm.s32 $0x0;
	s28 =	simm.s32 $0x0;
	s18 =	smul.u32 $0xA00, s15  }
0x7: {  	s2 =	sand.u32 $0x1, s2;
	s6 =	sshll.u32 s15, $0x1;
	s14 =	smul.u32 $0x4E200, s15  }
0x8: {  	[smem:$0x7FF] =	sst s5;
	s12 =	sadd.s32 $0x18DCC00, s0;
	s24 =	smul.u32 $0x4E20, s15  }
0x9: {  	s21 =	sshll.u32 s15, $0x6;
	s7 =	smul.u32 $0x140000, s2;
	s6 =	sor.u32 s2, s6  }
0xa: {  	_ =	strace $0x8000004A;
	s26 =	sshll.u32 s2, $0x7;
	s22 =	smul.u32 $0x27100, s2  }
0xb: {  	s29 =	ssub.s32 $0x2, s2;
	s2 =	smul.u32 $0x2710, s2;
	s9 =	sshll.u32 s6, $0xB  }
0xc: {  	s30 =	sshrl.u32 s29, $0x1;
	s17 =	sshrl.u32 s11, $0x2;
	s20 =	smul.u32 $0x2710, s6  }
0xd: {  	s6 =	smul.u32 $0x27100, s6;
	s25 =	sadd.s32 s14, s12;
	s9 =	sadd.s32 s9, s0  }
0xe: {  	s7 =	sadd.s32 s8, s7;
	s8 =	sor.u32 s26, s10;
	s31 =	ssub.s32 s29, s30  }
0xf: {  	s17 =	sadd.s32 s17, s3;
	s10 =	sshrl.u32 s18, $0x2;
	s29 =	sadd.s32 s22, s25  }
0x10: {  	s18 =	simm.s32 $0x3;
	s22 =	simm.s32 $0x20;
	s25 =	simm.s32 $0x50  }
0x11: {  	s7 =	sshrl.u32 s7, $0x3;
	s8 =	sshrl.u32 s8, $0x3;
	s10 =	sadd.s32 s10, s4  }
0x12: {  	s9 =	sadd.s32 $0x4800, s9;
	s6 =	sadd.s32 s12, s6;
	s23 =	sshrl.u32 s20, $0x3  }
0x13: {  	s30 =	smax.u32 s31, $0x1;
	s15 =	sadd.s32 $0x500, s29;
	[dreg:$0x7] =	wrdreg s9  }
0x14: {  	s31 =	sadd.s32 s2, s24;
	s17 =	sshrl.u32 s17, $0x3;
	[dreg:$0x8] =	wrdreg s6  }
0x15: {  	s13 =	sadd.s32 s7, s0;
	s6 =	sadd.s32 s1, s23;
	[dreg:$0xc] =	wrdreg s30  }
0x16: {  	s0 =	sadd.s32 s8, s0;
	s19 =	sadd.s32 $0x72C00, s13;
	[dreg:$0x9] =	wrdreg s6  }
0x17: {  	s20 =	simm.s32 $0x1;
	s16 =	sadd.s32 $0x14800, s0;
	[dreg:$0x5] =	wrdreg s19  }
0x18: {  	s24 =	simm.s32 $0x9000;
	s26 =	sadd.s32 $0xC2C00, s13;
	[dreg:$0x6] =	wrdreg s16  }
0x19: {  	s7 =	sor.u32 $0x1C03, s21;
	s0 =	sadd.s32 $0x15200, s0;
	[dreg:$0xa] =	wrdreg s26  }
0x1a: {  	s21 =	simm.s32 $0x10;
	s23 =	simm.s32 $0x4000;
	[dreg:$0xb] =	wrdreg s0  }
0x1b: {  	s16 =	sadd.s32 $0x50, s31;
	s19 =	sshrl.u32 s10, $0x3;
	s26 =	simm.s32 $0x3E00  }
.LBB2_1:
0x1c: {  	s0 =	rddreg [dreg:$0x5]  }
0x1d: {  	[spmem:s17], [sflag:s7] =	dma.local [hbm:s0], $0x2800  }
0x1e: {  	_ =	swait.ge [sflag:s18], $0x2800  }
0x1f: {  	[sflag:s18] =	ssyncset.done $0x0  }
0x20: {  	s11 =	rddreg [dreg:$0x6];
	[sflag:s18] =	ssyncadd.s32 $0xFFFFD800  }
0x21: {  	[spmem:s19@s21], [sflag:s7] =	dma.strided [hbm:s11@s22], $0x50, s20, $0x10   }
0x22: {  	_ =	swait.ge [sflag:s18], $0x50  }
0x23: {  	[sflag:s18] =	ssyncset.done $0x0  }
0x24: {  	s12 =	rddreg [dreg:$0x7];
	[sflag:s18] =	ssyncadd.s32 $0xFFFFFFB0  }
0x25: {  	[tilespmem:s5], [sflag:$0x3] =	stream.linear.gather [hbm4b:s12+s5], $0x3E80, $0x38;
	[tilespmem:$0x1D380] =	vst v63  }
0x26: {  	_ =	swait.ge [sflag:s18], $0x3E80  }
0x27: {  	[sflag:s18] =	ssyncset.done $0x0  }
0x28: {  	s0 =	sand.u32 $0x1, s5;
	[sflag:s18] =	ssyncadd.s32 $0xFFFFC180  }
0x29: {  	s2 =	sxor.u32 $0x1, s0;
	[bflag:$0x0] =	sbarrier.arrive $0xFFFF  }
0x2a: {  	s6 =	smul.u32 $0xA000, s2;
	s13 =	rddreg [dreg:$0x8]  }
0x2b: {  	[tilespmem:s23], [sflag:$0x1] =	stream.linear.gather [hbm4b:s13+s5], $0x2800, $0x38;
	[tilespmem:$0x1D380] =	vst v63  }
0x2c: {  	s9 =	sshrl.u32 s16, $0x3;
	s6 =	sshrl.u32 s6, $0x2;
	s8 =	rddreg [dreg:$0x9]  }
0x2d: {  	[tilespmem:s24], [sflag:$0x1] =	stream.linear.gather [hbm4b:s8+s5], $0x50, $0x38;
	[tilespmem:$0x1D380] =	vst v63  }
0x2e: {  	s14 =	sshll.u32 s2, $0x7;
	s2 =	sadd.s32 $0x1, s2;
	s6 =	sor.u32 $0x4000, s6  }
0x2f: {  	[tilespmem:s6], [sflag:s2] =	stream.linear.gather [hbm4b:s15+s5], $0x2800, $0x38;
	[tilespmem:$0x1D380] =	vst v63  }
0x30: {  	s10 =	sadd.s32 s1, s9;
	s11 =	sadd.s32 $0x1, s0;
	s8 =	sor.u32 $0x9000, s14  }
0x31: {  	[tilespmem:s8], [sflag:s2] =	stream.linear.gather [hbm4b:s10+s5], $0x50, $0x38;
	[tilespmem:$0x1D380] =	vst v63  }
0x32: {  	_ =	swait.ge [sflag:s11], $0x2800  }
0x33: {  	[sflag:s11] =	ssyncset.done $0x0  }
0x34: {  	s12 =	smul.u32 $0xA000, s0;
	[sflag:s11] =	ssyncadd.s32 $0xFFFFD800  }
0x35: {  	_ =	swait.ge [sflag:s11], $0x50  }
0x36: {  	s2 =	sshrl.u32 s12, $0x2;
	[sflag:s11] =	ssyncset.done $0x0  }
0x37: {  	s13 =	simm.s32 $0x1;
	s2 =	sor.u32 $0x4000, s2;
	[sflag:s11] =	ssyncadd.s32 $0xFFFFFFB0  }
0x38: {  	[spmem:s3] =	stream.indirect.scatter.add.f32 [tilespmem:s2], [sflag:$0x3], $0x80, s5, s25, $0xb8;
	[tilespmem:$0x1D380] =	vst v63  }
0x39: {  	s2 =	sand.u32 $0x1, s13;
	_ =	swait.ge [sflag:s18], $0x2800  }
0x3a: {  	s14 =	sshll.u32 s0, $0x7;
	s9 =	sxor.u32 $0x1, s2;
	[sflag:s18] =	ssyncset.done $0x0  }
0x3b: {  	s6 =	sor.u32 $0x9000, s14;
	s10 =	smul.u32 $0xA000, s9;
	[sflag:s18] =	ssyncadd.s32 $0xFFFFD800  }
0x3c: {  	[spmem:s4] =	stream.indirect.scatter.add.f32 [tilespmem:s6], [sflag:$0x3], $0x1, s5, s25, $0xb8;
	[tilespmem:$0x1D380] =	vst v63  }
0x3d: {  	s30 =	sadd.s32 $0x500, s15;
	s31 =	sadd.s32 $0x50, s16;
	s6 =	smul.u32 $0xA000, s2  }
0x3e: {  	s29 =	simm.s32 $0x80;
	s0 =	simm.s32 $0x2;
	s8 =	sshll.u32 s9, $0x7  }
.LBB2_2:
0x3f: {  	s10 =	sshrl.u32 s10, $0x2;
	s6 =	sshrl.u32 s6, $0x2  }
0x40: {  	_ =	swait.ge [sflag:s18], $0x50;
	s11 =	smov.u32 s0;
	s12 =	smov.u32 s29  }
0x41: {  	s13 =	sshll.u32 s2, $0x7;
	s10 =	sor.u32 $0x4000, s10;
	[sflag:s18] =	ssyncset.done $0x0  }
0x42: {  	s9 =	sadd.s32 $0x1, s9;
	s14 =	sshrl.u32 s31, $0x3;
	[sflag:s18] =	ssyncadd.s32 $0xFFFFFFB0  }
0x43: {  	[tilespmem:s10], [sflag:s9] =	stream.linear.gather [hbm4b:s30+s5], $0x2800, $0x38;
	[tilespmem:$0x1D380] =	vst v63  }
0x44: {  	s8 =	sor.u32 $0x9000, s8;
	s2 =	sadd.s32 $0x1, s2;
	s10 =	sadd.s32 s1, s14  }
0x45: {  	[tilespmem:s8], [sflag:s9] =	stream.linear.gather [hbm4b:s10+s5], $0x50, $0x38;
	[tilespmem:$0x1D380] =	vst v63  }
0x46: {  	p0 =	sne.s32 s0, $0x7B;
	s0 =	sadd.s32 $0x1, s0;
	_ =	swait.ge [sflag:s2], $0x2800  }
0x47: {  	[sflag:s2] =	ssyncset.done $0x0  }
0x48: {  	[sflag:s2] =	ssyncadd.s32 $0xFFFFD800  }
0x49: {  	_ =	swait.ge [sflag:s2], $0x50  }
0x4a: {  	[sflag:s2] =	ssyncset.done $0x0  }
0x4b: {  	s31 =	sadd.s32 $0x50, s31;
	s6 =	sor.u32 $0x4000, s6;
	[sflag:s2] =	ssyncadd.s32 $0xFFFFFFB0  }
0x4c: {  	[spmem:s3] =	stream.indirect.scatter.add.f32 [tilespmem:s6], [sflag:$0x3], $0x80, s29, s25, $0xb8;
	[tilespmem:$0x1D380] =	vst v63  }
.Ltmp0:
0x4d: {  	s30 =	sadd.s32 $0x500, s30;
	_ =	swait.ge [sflag:s18], $0x2800;
	(pc) =	sbr.rel @p0 .LBB2_2-.Ltmp0, $4  }
0x4e: {  	s2 =	sand.u32 $0x1, s11;
	s11 =	sor.u32 $0x9000, s13;
	s29 =	sadd.s32 $0x80, s29  }
0x4f: {  	s9 =	sxor.u32 $0x1, s2;
	s6 =	smul.u32 $0xA000, s2;
	[sflag:s18] =	ssyncset.done $0x0  }
0x50: {  	s10 =	smul.u32 $0xA000, s9;
	s8 =	sshll.u32 s9, $0x7;
	[sflag:s18] =	ssyncadd.s32 $0xFFFFD800  }
0x51: {  	[spmem:s4] =	stream.indirect.scatter.add.f32 [tilespmem:s11], [sflag:$0x3], $0x1, s12, s25, $0xb8;
	[tilespmem:$0x1D380] =	vst v63  }
0x52: {  	_ =	swait.ge [sflag:s18], $0x50  }
0x53: {  	s0 =	sshrl.u32 s10, $0x2;
	s9 =	sadd.s32 $0x1, s9;
	[sflag:s18] =	ssyncset.done $0x0  }
0x54: {  	s11 =	sshrl.u32 s31, $0x3;
	s0 =	sor.u32 $0x4000, s0;
	[sflag:s18] =	ssyncadd.s32 $0xFFFFFFB0  }
0x55: {  	[tilespmem:s0], [sflag:s9] =	stream.linear.gather [hbm4b:s30+s5], $0x2800, $0x38;
	[tilespmem:$0x1D380] =	vst v63  }
0x56: {  	s8 =	sor.u32 $0x9000, s8;
	s12 =	sadd.s32 $0x1, s2;
	s0 =	sadd.s32 s1, s11  }
0x57: {  	[tilespmem:s8], [sflag:s9] =	stream.linear.gather [hbm4b:s0+s5], $0x50, $0x38;
	[tilespmem:$0x1D380] =	vst v63  }
0x58: {  	_ =	swait.ge [sflag:s12], $0x2800  }
0x59: {  	[sflag:s12] =	ssyncset.done $0x0  }
0x5a: {  	[sflag:s12] =	ssyncadd.s32 $0xFFFFD800  }
0x5b: {  	_ =	swait.ge [sflag:s12], $0x50  }
0x5c: {  	s6 =	sshrl.u32 s6, $0x2;
	[sflag:s12] =	ssyncset.done $0x0  }
0x5d: {  	s13 =	sor.u32 $0x4000, s6;
	[sflag:s12] =	ssyncadd.s32 $0xFFFFFFB0  }
0x5e: {  	[spmem:s3] =	stream.indirect.scatter.add.f32 [tilespmem:s13], [sflag:$0x3], $0x80, s29, s25, $0xb8;
	[tilespmem:$0x1D380] =	vst v63  }
0x5f: {  	_ =	swait.ge [sflag:s18], $0x2800  }
0x60: {  	s14 =	sshll.u32 s2, $0x7;
	[sflag:s18] =	ssyncset.done $0x0  }
0x61: {  	s0 =	sor.u32 $0x9000, s14;
	[sflag:s18] =	ssyncadd.s32 $0xFFFFD800  }
0x62: {  	[spmem:s4] =	stream.indirect.scatter.add.f32 [tilespmem:s0], [sflag:$0x3], $0x1, s29, s25, $0xb8;
	[tilespmem:$0x1D380] =	vst v63  }
0x63: {  	_ =	swait.ge [sflag:s18], $0x50  }
0x64: {  	[sflag:s18] =	ssyncset.done $0x0  }
0x65: {  	[sflag:s18] =	ssyncadd.s32 $0xFFFFFFB0  }
0x66: {  	_ =	swait.ge [sflag:s20], $0x2800  }
0x67: {  	[sflag:s20] =	ssyncset.done $0x0  }
0x68: {  	[sflag:s20] =	ssyncadd.s32 $0xFFFFD800  }
0x69: {  	_ =	swait.ge [sflag:s20], $0x50  }
0x6a: {  	[sflag:s20] =	ssyncset.done $0x0  }
0x6b: {  	[sflag:s20] =	ssyncadd.s32 $0xFFFFFFB0  }
0x6c: {  	[spmem:s3] =	stream.indirect.scatter.add.f32 [tilespmem:s23], [sflag:$0x3], $0x80, s26, s25, $0xb8;
	[tilespmem:$0x1D380] =	vst v63  }
0x6d: {  	_ =	swait.ge [sflag:s18], $0x2800  }
0x6e: {  	[sflag:s18] =	ssyncset.done $0x0  }
0x6f: {  	[sflag:s18] =	ssyncadd.s32 $0xFFFFD800  }
0x70: {  	[spmem:s4] =	stream.indirect.scatter.add.f32 [tilespmem:s24], [sflag:$0x3], $0x1, s26, s25, $0xb8;
	[tilespmem:$0x1D380] =	vst v63  }
0x71: {  	_ =	swait.ge [sflag:s18], $0x50  }
0x72: {  	[sflag:s18] =	ssyncset.done $0x0  }
0x73: {  	[sflag:s18] =	ssyncadd.s32 $0xFFFFFFB0  }
0x74: {  	[bflag:$0x0] =	sbarrier.arrive $0xFFFF  }
0x75: {  	s29 =	rddreg [dreg:$0xa]  }
0x76: {  	[hbm:s29], [sflag:s7] =	dma.local [spmem:s17], $0x2800  }
0x77: {  	_ =	swait.ge [sflag:s18], $0x2800  }
0x78: {  	[sflag:s18] =	ssyncset.done $0x0  }
0x79: {  	s30 =	rddreg [dreg:$0xb];
	[sflag:s18] =	ssyncadd.s32 $0xFFFFD800  }
0x7a: {  	[hbm:s30@s22], [sflag:s7] =	dma.strided [spmem:s19@s21], $0x50, s20, $0x10   }
0x7b: {  	_ =	swait.ge [sflag:s18], $0x50  }
0x7c: {  	s28 =	sadd.s32 $0x1, s28;
	s31 =	rddreg [dreg:$0xc]  }
0x7d: {  	p0 =	sne.s32 s28, s31  }
.Ltmp1:
0x7e: {  	_ = 	snop;
	(pc) =	sbr.rel @p0 .LBB2_1-.Ltmp1, $3  }
0x7f: {  	_ =	sdelay $0x1  }
0x80: {  	[sflag:s18] =	ssyncset.done $0x0  }
0x81: {  	[sflag:s18] =	ssyncadd.s32 $0xFFFFFFB0  }
0x82: {  	_ =	sfence.sel $0x180000  }
0x83: {  	[bflag:$0x0] =	sbarrier.arrive $0xFFFF  }
0x84: {  	_ =	strace $0x9000004A  }
0x85: {  	s0 =	stileid.u32;
	[bflag:$0x2] =	sbarrier.arrive $0xFFFF  }
0x86: {  	p0 =	sne.s32 s0, $0x0;
	s0 =	rddreg [dreg:$0x4]  }
0x87: {  	s0 =	sadd.s32 @!p0 $0x100000, s0  }
0x88: {  	[sflag:s0] =	ssyncadd.tile.s32 @!p0 $0x1;
	_ =	shalt  }
.Lfunc_end2:
_tile_overlayer_lowered:
.L_overlay_start_2:
0x89: {  	(tag) =	ssettag $0x2  }
0x8a: {  	s0 =	rddreg [dreg:$0x0];
	s2 =	stileid.u32  }
0x8b: {  	s1 =	rddreg [dreg:$0x1];
	p0 =	sne.s32 s2, $0x0  }
0x8c: {  	s3 =	rddreg [dreg:$0x2];
	[bflag:$0x3] =	sbarrier.arrive $0xFFFF;
	s2 =	simm.s32 @!p0 $0x1C03  }
0x8d: {  	[timem:s3], [sflag:s2] =	dma.local @!p0 [hbm:s0], s1  }
0x8e: {  	s0 =	simm.s32 @!p0 $0x3  }
0x8f: {  	_ =	swait.ge @!p0 [sflag:s0], s1  }
0x90: {  	s1 =	ssub.s32 @!p0 $0x0, s1;
	[sflag:s0] =	ssyncset.done @!p0 $0x0  }
0x91: {  	[sflag:s0] =	ssyncadd.s32 @!p0 s1  }
0x92: {  	[bflag:$0x3] =	sbarrier.arrive $0xFFFF  }
0x93: {  	_ =	shalt  }

// kernel: kernel.7.cloned.1.call-start
scs
__scs_entry_jumppad:
0x0: {  	(pc) =	sbr.rel $0x88, $3  }
0x1: {  	(tag) =	ssettag $0x0;
	lr =	simm.s32 $0x1  }
0x2: {  	[smem:$0x3F8D] =	sst lr;
	_ =	strace $0xD0000000  }
0x3: {  	_ = 	snop  }
0x4: {  	_ = 	snop  }
0x5: {  	_ = 	snop  }
0x6: {  	_ = 	snop  }
0x7: {  	_ = 	snop  }
__scs_overlays_trampoline_lowered:
0x8: {  	[smem:$0x3F9C] =	sst s0  }
0x9: {  	[smem:$0x3F9D] =	sst s1  }
0xa: {  	[smem:$0x3F9E] =	sst s2  }
0xb: {  	[smem:$0x3F9F] =	sst s3  }
0xc: {  	[smem:$0x3FA0] =	sst s4  }
0xd: {  	[smem:$0x3FA1] =	sst s5  }
0xe: {  	[smem:$0x3FA2] =	sst s6  }
0xf: {  	[smem:$0x3FA3] =	sst s7  }
0x10: {  	[smem:$0x3FA4] =	sst s8  }
0x11: {  	[smem:$0x3FA5] =	sst s9;
	s0 =	simm.s32 @!p0 $0x0  }
0x12: {  	s1 =	sld [smem:$0x3F8B];
	s0 =	simm.s32 @p0 $0x1  }
0x13: {  	[smem:$0x3FA6] =	sst s0;
	s0 =	simm.s32 @!p1 $0x0  }
0x14: {  	s2 =	sld [smem:$0x3F8A];
	s0 =	simm.s32 @p1 $0x1  }
0x15: {  	[smem:$0x3FA7] =	sst s0;
	s0 =	simm.s32 @!p2 $0x0  }
0x16: {  	s3 =	sld [smem:$0x3FDB];
	s0 =	simm.s32 @p2 $0x1  }
0x17: {  	s4 =	simm.s32 $0x1BF5;
	[smem:$0x3FA9] =	sst s0  }
0x18: {  	s0 =	sld [smem:$0x3F8C];
	_ =	swait.ge [sflag:s4], $0x0  }
0x19: {  	s7 =	sld [smem:$0x3F8D]  }
0x1a: {  	s8 =	sadd.s32 $0xFFFFE003, lr  }
0x1b: {  	s9 =	sadd.s32 $0xFFFFFEF7, lr;
	s5 =	simm.s32 $0xFFFFFFFF;
	p2 =	slt.u32 s8, $0xFFFFF086  }
0x1c: {  	p1 =	slt.u32 s9, $0xF7A;
	s5 =	simm.s32 @!p2 $0x0  }
0x1d: {  	s5 =	simm.s32 @p1 $0x1;
	p0 =	seq.s32 s7, s2  }
0x1e: {  	s7 =	smul.u32 @!p0 $0xF7A, s2;
	p2 =	seq.s32 @!p0 s5, $0x0  }
0x1f: {  	s9 =	smul.u32 $0xF7A, s1;
	s8 =	simm.s32 @!p0 $0x1BF5;
	p2 =	por !p2, p0  }
0x20: {  	[sflag:s8] =	ssyncset.s32 @!p0 $0xFFFFF086;
	s6 =	sadd.s32 @!p0 s3, s7;
	s7 =	simm.s32 @!p0 $0x108  }
0x21: {  	s3 =	sadd.s32 s3, s9;
	s6 =	sadd.s32 @!p0 $0x88, s6;
	s7 =	simm.s32 @p2 $0x1082  }
0x22: {  	[simem:s7], [sflag:s8] =	dma.local @!p0 [hbm:s6], $0xF7A  }
0x23: {  	s9 =	sor.u32 $0xD0000000, s2;
	s6 =	simm.s32 $0x108;
	_ =	swait.ge @!p0 [sflag:s8], $0x0  }
0x24: {  	s3 =	sadd.s32 $0x88, s3;
	s6 =	simm.s32 @!p1 $0x1082;
	[sflag:s4] =	ssyncset.s32 $0xFFFFF086  }
0x25: {  	[simem:s6], [sflag:s4] =	dma.local [hbm:s3], $0xF7A  }
0x26: {  	[smem:$0x3F8D] =	sst s1;
	(tag) =	ssettag s2;
	_ =	strace s9  }
0x27: {  	s1 =	sld [smem:$0x3F9D]  }
0x28: {  	s2 =	sld [smem:$0x3F9E]  }
0x29: {  	s4 =	sld [smem:$0x3FA0]  }
0x2a: {  	p0 =	seq.s32 s5, $0x0;
	s5 =	sld [smem:$0x3FA1]  }
0x2b: {  	s6 =	sld [smem:$0x3FA2]  }
0x2c: {  	s7 =	sld [smem:$0x3FA3]  }
0x2d: {  	s3 =	simm.s32 $0x108;
	s8 =	sld [smem:$0x3FA4]  }
0x2e: {  	s3 =	simm.s32 @!p0 $0x1082;
	s9 =	sld [smem:$0x3FA5]  }
0x2f: {  	lr =	sadd.s32 s0, s3;
	s0 =	sld [smem:$0x3F9C]  }
0x30: {  	s3 =	sld [smem:$0x3F9F]  }
0x31: {  	[smem:$0x3FA8] =	sst s10  }
0x32: {  	s10 =	sld [smem:$0x3FA6];
	_ =	sdelay $0x3  }
0x33: {  	p0 =	seq.s32 s10, $0x1;
	s10 =	sld [smem:$0x3FA8];
	_ =	sdelay $0x3  }
0x34: {  	[smem:$0x3FA8] =	sst s10  }
0x35: {  	s10 =	sld [smem:$0x3FA7];
	_ =	sdelay $0x3  }
0x36: {  	p1 =	seq.s32 s10, $0x1;
	s10 =	sld [smem:$0x3FA8];
	_ =	sdelay $0x3  }
0x37: {  	[smem:$0x3FA8] =	sst s10  }
0x38: {  	s10 =	sld [smem:$0x3FA9]  }
0x39: {  	_ = 	snop;
	(pc) =	sbr.ind lr, $3  }
0x3a: {  	_ = 	snop  }
0x3b: {  	_ = 	snop  }
0x3c: {  	p2 =	seq.s32 s10, $0x1;
	s10 =	sld [smem:$0x3FA8]  }
0x3d: {  	_ =	shalt  }
0x3e: {  	_ =	shalt  }
0x3f: {  	_ =	shalt  }
0x40: {  	_ =	shalt  }
0x41: {  	_ =	shalt  }
0x42: {  	_ =	shalt  }
0x43: {  	_ =	shalt  }
0x44: {  	_ =	shalt  }
0x45: {  	_ =	shalt  }
0x46: {  	_ =	shalt  }
0x47: {  	_ =	shalt  }
0x48: {  	_ =	shalt  }
0x49: {  	_ =	shalt  }
0x4a: {  	_ =	shalt  }
0x4b: {  	_ =	shalt  }
0x4c: {  	_ =	shalt  }
0x4d: {  	_ =	shalt  }
0x4e: {  	_ =	shalt  }
0x4f: {  	_ =	shalt  }
0x50: {  	_ =	shalt  }
0x51: {  	_ =	shalt  }
0x52: {  	_ =	shalt  }
0x53: {  	_ =	shalt  }
0x54: {  	_ =	shalt  }
0x55: {  	_ =	shalt  }
0x56: {  	_ =	shalt  }
0x57: {  	_ =	shalt  }
0x58: {  	_ =	shalt  }
0x59: {  	_ =	shalt  }
0x5a: {  	_ =	shalt  }
0x5b: {  	_ =	shalt  }
0x5c: {  	_ =	shalt  }
0x5d: {  	_ =	shalt  }
0x5e: {  	_ =	shalt  }
0x5f: {  	_ =	shalt  }
0x60: {  	_ =	shalt  }
0x61: {  	_ =	shalt  }
0x62: {  	_ =	shalt  }
0x63: {  	_ =	shalt  }
0x64: {  	_ =	shalt  }
0x65: {  	_ =	shalt  }
0x66: {  	_ =	shalt  }
0x67: {  	_ =	shalt  }
0x68: {  	_ =	shalt  }
0x69: {  	_ =	shalt  }
0x6a: {  	_ =	shalt  }
0x6b: {  	_ =	shalt  }
0x6c: {  	_ =	shalt  }
0x6d: {  	_ =	shalt  }
0x6e: {  	_ =	shalt  }
0x6f: {  	_ =	shalt  }
0x70: {  	_ =	shalt  }
0x71: {  	_ =	shalt  }
0x72: {  	_ =	shalt  }
0x73: {  	_ =	shalt  }
0x74: {  	_ =	shalt  }
0x75: {  	_ =	shalt  }
0x76: {  	_ =	shalt  }
0x77: {  	_ =	shalt  }
0x78: {  	_ =	shalt  }
0x79: {  	_ =	shalt  }
0x7a: {  	_ =	shalt  }
0x7b: {  	_ =	shalt  }
0x7c: {  	_ =	shalt  }
0x7d: {  	_ =	shalt  }
0x7e: {  	_ =	shalt  }
0x7f: {  	_ =	shalt  }
0x80: {  	_ =	shalt  }
0x81: {  	_ =	shalt  }
0x82: {  	_ =	shalt  }
0x83: {  	_ =	shalt  }
0x84: {  	_ =	shalt  }
0x85: {  	_ =	shalt  }
0x86: {  	_ =	shalt  }
0x87: {  	_ =	shalt  }
.Lfunc_end0:
.L_simem_size_0:
called_computation_lowered:
.L_overlay_start_0:
0x88: {  	s2 =	sld [smem:$0x3FD9]  }
0x89: {  	s3 =	sld [smem:$0x3FFE];
	_ =	sdelay $0x1  }
0x8a: {  	s1 =	srdreg.scid  }
0x8b: {  	s0 =	sand.u32 $0x1, s1  }
0x8c: {  	s14 =	sshll.u32 s0, $0xA;
	s2 =	sadd.s32 s3, s2  }
0x8d: {  	s2 =	sadd.s32 s2, s14  }
0x8e: {  	[smem:$0x3FB4] =	sst s2  }
0x8f: {  	_ = 	snop  }
0x90: {  	s2 =	sld [smem:$0x3FD0];
	_ =	sdelay $0x2  }
0x91: {  	s15 =	simm.s32 $0xA;
	s4 =	simm.s32 $0x10  }
0x92: {  	[smem:s4], [sflag:s15] =	dma.local [hbm:s2], $0x1  }
0x93: {  	_ =	swait.eq [sflag:s15], $0x1  }
0x94: {  	[sflag:s15] =	ssyncset.done $0x0  }
0x95: {  	[sflag:s15] =	ssyncadd.s32 $0xFFFFFFFF  }
0x96: {  	s16 =	sld [smem:$0x10];
	(tm) =	ssettm $0x1  }
0x97: {  	s17 =	sld [smem:$0x3FFB];
	_ =	sdelay $0x3  }
0x98: {  	_ =	strace s17  }
0x99: {  	s3 =	sld [smem:$0x3FFC];
	_ =	sdelay $0x3  }
0x9a: {  	_ =	strace s3  }
0x9b: {  	s3 =	sld [smem:$0x3FFD];
	_ =	sdelay $0x3  }
0x9c: {  	_ =	strace s3  }
0x9d: {  	_ =	strace $0x8FFFFFFF  }
0x9e: {  	s18 =	sld [smem:$0x3FDB];
	_ =	sdelay $0x1  }
0x9f: {  	s19 =	simm.s32 $_scs_section_size  }
0xa0: {  	s5 =	simm.s32 $_size__tile_overlayer_lowered;
	s6 =	simm.s32 $_tile_overlayer_lowered  }
0xa1: {  	s22 =	simm.s32 $0x1BFF;
	s21 =	sshll.u32 s6, $0x1;
	s3 =	sadd.s32 s19, s18  }
0xa2: {  	s7 =	simm.s32 $0x0;
	s20 =	sshll.u32 s5, $0x1;
	s5 =	sadd.s32 s21, s3  }
0xa3: {  	[timem:s7], [sflag:s22] =	dma.local [hbm:s5], s20  }
0xa4: {  	_ =	swait.ge [sflag:s22], s20  }
0xa5: {  	s4 =	ssub.s32 $0x0, s20;
	[sflag:s22] =	ssyncset.done $0x0  }
0xa6: {  	[sflag:s22] =	ssyncadd.s32 s4;
	_ =	sdelay $0x1  }
0xa7: {  	s23 =	simm.s32 $0x1B8B  }
0xa8: {  	_ =	swait.ge [sflag:s23], $0x1  }
0xa9: {  	[sflag:s23] =	ssyncset.done $0x0  }
0xaa: {  	s25 =	simm.s32 $0x1B8E;
	s24 =	sld [smem:$0x3FFE];
	[sflag:s23] =	ssyncadd.s32 $0xFFFFFFFF  }
0xab: {  	s26 =	simm.s32 $execute0_lowered;
	[smem:$0x3FD2] =	sst s25  }
0xac: {  	s5 =	sshll.u32 s26, $0x1;
	_ =	strace $0x80000046;
	[dreg:$0x1] =	wrdreg $0xFFFFFFFF  }
0xad: {  	s28 =	simm.s32 $_size_execute0_lowered;
	s3 =	sadd.s32 s3, s5;
	[dreg:$0x0] =	wrdreg $0x0  }
0xae: {  	s5 =	sshll.u32 s28, $0x1;
	[dreg:$0x2] =	wrdreg s3  }
0xaf: {  	[dreg:$0x3] =	wrdreg s5  }
0xb0: {  	[dreg:$0x4] =	wrdreg $0xC0  }
0xb1: {  	_ =	task [dreg:s7], $0x5FFFF  }
0xb2: {  	[dreg:$0x1] =	wrdreg $0xFFFFFFFF  }
0xb3: {  	[dreg:$0x0] =	wrdreg $0x60  }
0xb4: {  	[dreg:$0x2] =	wrdreg s16  }
0xb5: {  	[dreg:$0x3] =	wrdreg s24  }
0xb6: {  	[dreg:$0x4] =	wrdreg $0x9  }
0xb7: {  	_ =	task.clear_ibuf [dreg:s7], $0x5FFFF;
	_ =	strace $0x90000046  }
0xb8: {  	s29 =	simm.s32 $0x9;
	_ =	strace $0x80000048  }
0xb9: {  	_ =	swait.ge [sflag:s29], $0x1  }
0xba: {  	[sflag:s29] =	ssyncadd.s32 $0xFFFFFFFF  }
0xbb: {  	_ =	strace $0x90000048  }
0xbc: {  	_ =	sfence  }
0xbd: {  	s30 =	sld [smem:$0x0];
	_ =	sdelay $0x2  }
0xbe: {  	s31 =	sshll.u32 s1, $0xD;
	s1 =	sshrl.u32 s1, $0x2  }
0xbf: {  	s3 =	sand.u32 $0x4000, s31;
	s1 =	sadd.s32 s1, s30  }
0xc0: {  	s0 =	sor.u32 s3, s0;
	s1 =	sshll.u32 s1, $0x11  }
0xc1: {  	s0 =	sor.u32 s1, s0  }
0xc2: {  	s0 =	sadd.s32 $0x8F2B, s0  }
0xc3: {  	[sflag:s0] =	ssyncadd.remote.s32 $0x1  }
0xc4: {  	_ =	sfence.sel $0xFFFF  }
0xc5: {  	[dreg:$0x0] =	wrdreg $0xFFFFFFFF;
	(pc) =	sbr.abs _section_cstart, $3  }
0xc6: {  	[dreg:$0x1] =	wrdreg $0xFFFFFFFF  }
0xc7: {  	_ =	task.clear_ibuf [dreg:s7], $0x2FFFF;
	_ =	strace $0x9FFFFFFF  }
0xc8: {  	(tm) =	ssettm $0x7FFFFFFF  }
0xc9: {  	_ =	shalt  }
tec
execute0_lowered:
.L_overlay_start_1:
0x0: {  	(tag) =	ssettag $0x1  }
0x1: {  	s1 =	rddreg [dreg:$0x0]  }
0x2: {  	s5 =	rddreg [dreg:$0x1]  }
0x3: {  	s0 =	rddreg [dreg:$0x2];
	s2 =	simm.s32 $0x0;
	s6 =	srdreg.scid  }
0x4: {  	s3 =	stileid.u32;
	s10 =	simm.s32 $0x5;
	s11 =	simm.s32 $0x4000  }
0x5: {  	s12 =	simm.s32 $0x50;
	s13 =	simm.s32 $0x8000;
	s14 =	simm.s32 $0xD000  }
0x6: {  	s15 =	simm.s32 $0x4;
	s16 =	simm.s32 $0x3;
	s17 =	simm.s32 $0x0  }
0x7: {  	[smem:$0x7FF] =	sst s2;
	s4 =	sadd.s32 $0x24800, s5;
	s6 =	sand.u32 $0x1, s6  }
0x8: {  	s7 =	sshll.u32 s3, $0xC;
	s9 =	smul.u32 $0x4E200, s3;
	_ =	strace $0x80000047  }
.Ltmp0:
0x9: {  	s8 =	sshll.u32 s6, $0xB;
	s30 =	ssub.s32 $0x2, s6;
	(pc) =	sbr.rel .LBB2_1-.Ltmp0, $4  }
0xa: {  	s6 =	smul.u32 $0x27100, s6;
	s7 =	sor.u32 s8, s7;
	s31 =	sshrl.u32 s30, $0x1  }
0xb: {  	s9 =	sadd.s32 s9, s5;
	s7 =	sadd.s32 s7, s5;
	s8 =	ssub.s32 s30, s31  }
0xc: {  	s9 =	sadd.s32 s6, s9;
	s5 =	sadd.s32 $0x14800, s7;
	s6 =	sadd.s32 $0x4800, s7  }
0xd: {  	s7 =	smax.u32 s8, $0x1;
	s8 =	sadd.s32 $0x72C00, s9;
	s9 =	sadd.s32 $0x554C00, s9  }
.LBB2_8:
0xe: {  	_ =	swait.ge [sflag:s15], $0x2800  }
0xf: {  	[sflag:s15] =	ssyncset.done $0x0  }
0x10: {  	[sflag:s15] =	ssyncadd.s32 $0xFFFFD800  }
0x11: {  	_ =	swait.ge [sflag:s15], $0x2800  }
0x12: {  	[sflag:s15] =	ssyncset.done $0x0  }
0x13: {  	s17 =	sadd.s32 $0x1, s17;
	[sflag:s15] =	ssyncadd.s32 $0xFFFFD800  }
0x14: {  	p0 =	sne.s32 s17, s7;
	_ =	swait.ge [sflag:s16], $0x2800  }
.Ltmp1:
0x15: {  	[sflag:s16] =	ssyncset.done $0x0;
	(pc) =	sbr.rel @!p0 .LBB2_9-.Ltmp1, $4  }
0x16: {  	[sflag:s16] =	ssyncadd.s32 $0xFFFFD800  }
0x17: {  	_ =	swait.ge [sflag:s16], $0x2800  }
0x18: {  	[sflag:s16] =	ssyncset.done $0x0  }
0x19: {  	[sflag:s16] =	ssyncadd.s32 $0xFFFFD800  }
.LBB2_1:
0x1a: {  	[tilespmem:s2], [sflag:$0x5] =	stream.linear.gather [hbm4b:s5+s2], $0x3E80, $0x38;
	[tilespmem:$0x12000] =	vst v63  }
0x1b: {  	_ =	swait.ge [sflag:s10], $0x3E80  }
0x1c: {  	[sflag:s10] =	ssyncset.done $0x0  }
0x1d: {  	[sflag:s10] =	ssyncadd.s32 $0xFFFFC180  }
0x1e: {  	[tilespmem:s11], [sflag:$0x5] =	stream.linear.gather [hbm4b:s6+s2], $0x3E80, $0x38;
	[tilespmem:$0x12000] =	vst v63  }
0x1f: {  	_ =	swait.ge [sflag:s10], $0x3E80  }
.Ltmp2:
0x20: {  	[sflag:s10] =	ssyncset.done $0x0;
	(pc) =	sbr.rel .LBB2_2-.Ltmp2, $4  }
0x21: {  	s18 =	simm.s32 $0x80;
	s19 =	simm.s32 $0x4080;
	[sflag:s10] =	ssyncadd.s32 $0xFFFFC180  }
0x22: {  	[tilespmem:s13], [sflag:$0x1] =	stream.indirect.gather [hbm4b:s1+s12], $0x80, s2, s12, $0xb8;
	[tilespmem:$0x12000] =	vst v63  }
0x23: {  	s20 =	smov.u32 s9;
	s21 =	smov.u32 s8;
	s22 =	simm.s32 $0x0  }
0x24: {  	[tilespmem:s14], [sflag:$0x1] =	stream.indirect.gather [hbm4b:s4+s12], $0x80, s11, s12, $0xb8;
	[tilespmem:$0x12000] =	vst v63  }
.LBB2_3:
0x25: {  	s24 =	simm.s32 $0x1  }
.LBB2_6:
0x26: {  	s25 =	smul.u32 $0x2800, s24;
	_ =	sdelay $0x1  }
0x27: {  	s31 =	sadd.s32 $0x1, s24;
	s26 =	sor.u32 $0x8000, s25  }
0x28: {  	[tilespmem:s26], [sflag:s31] =	stream.indirect.gather [hbm4b:s1+s12], $0x80, s18, s12, $0xb8;
	[tilespmem:$0x12000] =	vst v63  }
0x29: {  	s25 =	sadd.s32 $0xD000, s25  }
0x2a: {  	[tilespmem:s25], [sflag:s31] =	stream.indirect.gather [hbm4b:s4+s12], $0x80, s19, s12, $0xb8;
	[tilespmem:$0x12000] =	vst v63  }
.LBB2_7:
0x2b: {  	s24 =	sadd.s32 $0x1, s23  }
0x2c: {  	_ =	swait.ge [sflag:s24], $0x2800  }
0x2d: {  	[sflag:s24] =	ssyncset.done $0x0  }
0x2e: {  	[sflag:s24] =	ssyncadd.s32 $0xFFFFD800  }
0x2f: {  	s25 =	smul.u32 $0x2800, s23;
	s22 =	sadd.s32 $0x1, s22;
	_ =	swait.ge [sflag:s24], $0x2800  }
0x30: {  	s29 =	sadd.s32 $0x3, s23;
	p0 =	sne.s32 s22, $0x7D;
	[sflag:s24] =	ssyncset.done $0x0  }
.Ltmp3:
0x31: {  	s30 =	sor.u32 $0x8000, s25;
	[sflag:s24] =	ssyncadd.s32 $0xFFFFD800;
	(pc) =	sbr.rel @!p0 .LBB2_8-.Ltmp3, $4  }
0x32: {  	[hbm4b:s21+s2] =	stream.linear.scatter [tilespmem:s30], [sflag:s29], $0x2800, $0x38;
	[tilespmem:$0x12000] =	vst v63  }
0x33: {  	s18 =	sadd.s32 $0x80, s18;
	s31 =	sadd.s32 $0xD000, s25  }
0x34: {  	[hbm4b:s20+s2] =	stream.linear.scatter [tilespmem:s31], [sflag:s29], $0x2800, $0x38;
	[tilespmem:$0x12000] =	vst v63  }
0x35: {  	s19 =	sadd.s32 $0x80, s19;
	s21 =	sadd.s32 $0x500, s21;
	s20 =	sadd.s32 $0x500, s20  }
.LBB2_2:
0x36: {  	p0 =	seq.s32 s22, $0x0  }
.Ltmp4:
0x37: {  	_ = 	snop;
	(pc) =	sbr.rel @p0 .LBB2_3-.Ltmp4, $2  }
0x38: {  	_ =	sdelay $0x2  }
0x39: {  	s23 =	sand.u32 $0x1, s22  }
0x3a: {  	p0 =	seq.s32 s22, $0x7C  }
.Ltmp5:
0x3b: {  	_ = 	snop;
	(pc) =	sbr.rel @p0 .LBB2_7-.Ltmp5, $1  }
0x3c: {  	_ =	sdelay $0x3  }
0x3d: {  	s24 =	sxor.u32 $0x1, s23  }
0x3e: {  	s25 =	sadd.s32 $0x3, s24  }
0x3f: {  	_ =	swait.ge [sflag:s25], $0x2800  }
.Ltmp6:
0x40: {  	[sflag:s25] =	ssyncset.done $0x0;
	(pc) =	sbr.rel .LBB2_6-.Ltmp6, $4  }
0x41: {  	[sflag:s25] =	ssyncadd.s32 $0xFFFFD800  }
0x42: {  	_ =	swait.ge [sflag:s25], $0x2800  }
0x43: {  	[sflag:s25] =	ssyncset.done $0x0  }
0x44: {  	[sflag:s25] =	ssyncadd.s32 $0xFFFFD800  }
.LBB2_9:
0x45: {  	_ =	sfence.sel $0x180000  }
0x46: {  	[bflag:$0x0] =	sbarrier.arrive $0xFFFF  }
0x47: {  	p0 =	sne.s32 s3, $0x0;
	_ =	strace $0x90000047  }
0x48: {  	s0 =	sadd.s32 @!p0 $0x100000, s0;
	[bflag:$0x2] =	sbarrier.arrive $0xFFFF  }
0x49: {  	[sflag:s0] =	ssyncadd.tile.s32 @!p0 $0x1;
	_ =	shalt  }
.Lfunc_end2:
_tile_overlayer_lowered:
.L_overlay_start_2:
0x4a: {  	(tag) =	ssettag $0x2  }
0x4b: {  	s0 =	rddreg [dreg:$0x0];
	s2 =	stileid.u32  }
0x4c: {  	s1 =	rddreg [dreg:$0x1];
	p0 =	sne.s32 s2, $0x0  }
0x4d: {  	s3 =	rddreg [dreg:$0x2];
	[bflag:$0x3] =	sbarrier.arrive $0xFFFF;
	s2 =	simm.s32 @!p0 $0x1C05  }
0x4e: {  	[timem:s3], [sflag:s2] =	dma.local @!p0 [hbm:s0], s1  }
0x4f: {  	s0 =	simm.s32 @!p0 $0x5  }
0x50: {  	_ =	swait.ge @!p0 [sflag:s0], s1  }
0x51: {  	s1 =	ssub.s32 @!p0 $0x0, s1;
	[sflag:s0] =	ssyncset.done @!p0 $0x0  }
0x52: {  	[sflag:s0] =	ssyncadd.s32 @!p0 s1  }
0x53: {  	[bflag:$0x3] =	sbarrier.arrive $0xFFFF  }
0x54: {  	_ =	shalt  }

</sc_bundles>
